<compile_context>
chip_gen: v7x
topology: tpu7x:2x2x1
jax: 0.10.2.dev20260603
libtpu: 0.0.44.dev20260713+nightly
codegen_flags: <defaults>
</compile_context>

<pallas_src>
import functools

import jax
import jax.numpy as jnp
import numpy as np
from jax import lax
from jax.experimental import pallas as pl
from jax.experimental.pallas import tpu as pltpu
from jax.experimental.pallas import tpu_sc as plsc

N_NODES = 10000
N_EDGES = 320000
D_IN = 128
GUMBEL_TEMP = 0.5

NC, NS, L = 2, 16, 16
NPAD = 10240
SLICE = NPAD // NS
E_TILE = N_EDGES // NS
GROUPS = E_TILE // L
ZGROUPS = NPAD // L
SGROUPS = SLICE // L

_mesh = plsc.VectorSubcoreMesh(core_axis_name="c", subcore_axis_name="s",
                               num_cores=NC, num_subcores=NS)


def _rsqrt16(x):
    i = plsc.bitcast(x, jnp.int32)
    i = jnp.int32(0x5F3759DF) - lax.shift_right_arithmetic(i, jnp.int32(1))
    y = plsc.bitcast(i, jnp.float32)
    for _ in range(3):
        y = y * (1.5 - 0.5 * x * y * y)
    return y


def _mm_body(x_ref, b1_ref, w1_ref, w2_ref, zt_ref):
    m2 = jnp.dot(w1_ref[...], w2_ref[...], preferred_element_type=jnp.float32)
    zt = lax.dot_general(m2, x_ref[...], (((0,), (1,)), ((), ())),
                         preferred_element_type=jnp.float32)
    zt_ref[:, :N_NODES] = zt
    c1 = lax.dot_general(m2, b1_ref[...], (((0,), (1,)), ((), ())),
                         preferred_element_type=jnp.float32)
    col = lax.broadcasted_iota(jnp.int32, (NC, NPAD - N_NODES), 1)
    zt_ref[:, N_NODES:] = jnp.where(col == 0, c1, 0.0)


def _sm_body(h_ref, g_ref, o_ref):
    a = (h_ref[...] + g_ref[...]) * (1.0 / GUMBEL_TEMP)
    m = jnp.max(a, axis=0, keepdims=True)
    e = jnp.exp(a - m)
    o_ref[...] = e / jnp.sum(e, axis=0, keepdims=True)


@functools.partial(
    pl.kernel,
    out_type=jax.ShapeDtypeStruct((NC, NPAD), jnp.float32),
    mesh=_mesh,
    scratch_types=[
        pltpu.VMEM((E_TILE,), jnp.int32),
        pltpu.VMEM((E_TILE,), jnp.int32),
        pltpu.VMEM((NPAD,), jnp.float32),
        pltpu.VMEM((NPAD,), jnp.float32),
        pltpu.VMEM((NPAD,), jnp.float32),
        pltpu.VMEM((NS, SLICE), jnp.float32),
        pltpu.VMEM((L,), jnp.float32),
        pltpu.VMEM_SHARED((NS, NPAD), jnp.float32),
        pltpu.VMEM_SHARED((NPAD,), jnp.float32),
        pltpu.SemaphoreType.DMA,
        pltpu.SemaphoreType.DMA,
    ],
    compiler_params=pltpu.CompilerParams(needs_layout_passes=False),
)
def _sc_body(edge_hbm, zt_hbm, b2_hbm, h_hbm,
             srcv, dstv, accv, sv, dinvv, redv, b2v, sh_part, sh_tot,
             semA, semB):
    c = lax.axis_index("c")
    s = lax.axis_index("s")
    base = s * SLICE

    def zero_acc():
        z16 = jnp.zeros((L,), jnp.float32)
        def body(i, _):
            b = i * (8 * L)
            for u in range(8):
                accv[pl.ds(b + u * L, L)] = z16
            return 0
        lax.fori_loop(0, ZGROUPS // 8, body, 0)

    def scatter_pass():
        def body(i, _):
            e = i * (10 * L)
            for u in range(10):
                srci = srcv[pl.ds(e + u * L, L)]
                dsti = dstv[pl.ds(e + u * L, L)]
                vals = plsc.load_gather(sv, [srci])
                plsc.addupdate_scatter(accv, [dsti], vals)
            return 0
        lax.fori_loop(0, GROUPS // 10, body, 0)

    def reduce_partials():
        pltpu.sync_copy(accv, sh_part.at[s])
        plsc.subcore_barrier()
        pltpu.sync_copy(sh_part.at[:, pl.ds(base, SLICE)], redv)

    def red16(j):
        t = redv[0, pl.ds(j * L, L)]
        for r in range(1, NS):
            t = t + redv[r, pl.ds(j * L, L)]
        return t

    def publish_and_fetch(dst_ref):
        pltpu.sync_copy(redv.at[0], sh_tot.at[pl.ds(base, SLICE)])
        plsc.subcore_barrier()
        pltpu.sync_copy(sh_tot, dst_ref)

    cp_dst = pltpu.async_copy(
        edge_hbm.at[pl.ds(N_EDGES + s * E_TILE, E_TILE)], dstv, semA)
    cp_src = pltpu.async_copy(
        edge_hbm.at[pl.ds(s * E_TILE, E_TILE)], srcv, semB)
    cp_z = pltpu.async_copy(zt_hbm.at[c], sv, semB)
    cp_b2 = pltpu.async_copy(b2_hbm, b2v, semB)

    zero_acc()
    cp_dst.wait()

    ones16 = jnp.ones((L,), jnp.float32)

    def deg_body(i, _):
        e = i * (10 * L)
        for u in range(10):
            dsti = dstv[pl.ds(e + u * L, L)]
            plsc.addupdate_scatter(accv, [dsti], ones16)
        return 0
    lax.fori_loop(0, GROUPS // 10, deg_body, 0)

    reduce_partials()

    def dinv_body(j, _):
        deg = red16(j) + 1.0
        redv[0, pl.ds(j * L, L)] = _rsqrt16(deg)
        return 0
    lax.fori_loop(0, SGROUPS, dinv_body, 0)
    publish_and_fetch(dinvv)

    cp_src.wait()
    cp_z.wait()
    cp_b2.wait()

    def scale_body(j, _):
        b = j * (8 * L)
        for u in range(8):
            g = pl.ds(b + u * L, L)
            sv[g] = sv[g] * dinvv[g]
        return 0
    lax.fori_loop(0, ZGROUPS // 8, scale_body, 0)
    plsc.subcore_barrier()
    zero_acc()
    scatter_pass()
    reduce_partials()

    c1 = plsc.load_gather(sv, [jnp.zeros((L,), jnp.int32) + N_NODES])

    def t_body(j, _):
        g = pl.ds(base + j * L, L)
        di = dinvv[g]
        t = di * (red16(j) + sv[g]) + c1
        redv[0, pl.ds(j * L, L)] = di * t
        return 0
    lax.fori_loop(0, SGROUPS, t_body, 0)
    publish_and_fetch(sv)

    plsc.subcore_barrier()
    zero_acc()
    scatter_pass()
    reduce_partials()

    b2c = plsc.load_gather(b2v, [jnp.zeros((L,), jnp.int32) + c])

    def h_body(j, _):
        g = pl.ds(base + j * L, L)
        h = dinvv[g] * (red16(j) + sv[g]) + b2c
        redv[0, pl.ds(j * L, L)] = h
        return 0
    lax.fori_loop(0, SGROUPS, h_body, 0)
    pltpu.sync_copy(redv.at[0], h_hbm.at[c, pl.ds(base, SLICE)])


def _threefry2x32(k0, k1, x0, x1):
    rot = ((13, 15, 26, 6), (17, 29, 16, 24))
    ks = (np.uint32(k0), np.uint32(k1),
          np.uint32(k0) ^ np.uint32(k1) ^ np.uint32(0x1BD11BDA))
    x0 = (x0 + ks[0]).astype(np.uint32)
    x1 = (x1 + ks[1]).astype(np.uint32)
    for i in range(5):
        for r in rot[i % 2]:
            x0 = (x0 + x1).astype(np.uint32)
            x1 = ((x1 << np.uint32(r)) | (x1 >> np.uint32(32 - r))) ^ x0
        x0 = (x0 + ks[(i + 1) % 3]).astype(np.uint32)
        x1 = (x1 + ks[(i + 2) % 3] + np.uint32(i + 1)).astype(np.uint32)
    return x0, x1


def _gumbel_const():
    n = N_NODES * 2
    a, b = _threefry2x32(0, 42, np.zeros(n, np.uint32),
                         np.arange(n, dtype=np.uint32))
    fb = ((a ^ b) >> np.uint32(9)) | np.uint32(0x3F800000)
    u = (fb.view(np.float32) - np.float32(1.0)).reshape(N_NODES, 2)
    g = -np.log(-np.log(u + np.float32(1e-09), dtype=np.float32)
                + np.float32(1e-09), dtype=np.float32)
    gt = np.zeros((NC, NPAD), np.float32)
    gt[:, :N_NODES] = g.T
    return gt

_GT = _gumbel_const()


def kernel(x, edge_index, W1, b1, W2, b2):
    zt = pl.pallas_call(
        _mm_body,
        out_shape=jax.ShapeDtypeStruct((NC, NPAD), jnp.float32),
    )(x, b1[None, :], W1, W2)

    b2p = jnp.concatenate([b2, jnp.zeros((L - 2,), jnp.float32)])

    ht = _sc_body(edge_index.reshape(-1), zt, b2p)

    out = pl.pallas_call(
        _sm_body,
        out_shape=jax.ShapeDtypeStruct((NC, NPAD), jnp.float32),
    )(ht, jnp.asarray(_GT))
    return out[:, :N_NODES].T

# --- scband reference (transcript-rebuilt; emitter-appended) ---
"""Pipeline reference for scband-s-classify-12137577578914 (READ-ONLY COPY).

The authoritative reference and input builder live on the scoring server;
editing this copy changes nothing except your own understanding.
"""

import jax, jax.numpy as jnp
import numpy as np

N_NODES = 10000
N_EDGES = 320000
D_IN = 128
D_HID = 128
D_OUT = 2
GUMBEL_TEMP = 0.5


def gcn_conv(x, edge_index, W, b, num_nodes):
    # PyG-style GCNConv: x' = D^{-1/2} (A + I) D^{-1/2} (X W) + b
    x = x @ W
    loop = jnp.arange(num_nodes, dtype=edge_index.dtype)
    src = jnp.concatenate([edge_index[0], loop])
    dst = jnp.concatenate([edge_index[1], loop])
    ones = jnp.ones(src.shape[0], dtype=x.dtype)
    deg = jax.ops.segment_sum(ones, dst, num_segments=num_nodes)
    deg_inv_sqrt = jnp.where(deg > 0, 1.0 / jnp.sqrt(deg), 0.0)
    norm = deg_inv_sqrt[src] * deg_inv_sqrt[dst]
    msg = x[src] * norm[:, None]
    out = jax.ops.segment_sum(msg, dst, num_segments=num_nodes)
    return out + b


def setup_inputs(seed: int = 0) -> dict:
    key = jax.random.key(seed)
    k1, k2, k3, k4, k5, k6 = jax.random.split(key, 6)
    x = jax.random.normal(k1, (N_NODES, D_IN), dtype=jnp.float32)
    edge_index = jax.random.randint(k2, (2, N_EDGES), 0, N_NODES, dtype=jnp.int32)
    W1 = jax.random.normal(k3, (D_IN, D_HID), dtype=jnp.float32) * (1.0 / np.sqrt(D_IN))
    b1 = jnp.zeros((D_HID,), dtype=jnp.float32)
    W2 = jax.random.normal(k4, (D_HID, D_OUT), dtype=jnp.float32) * (1.0 / np.sqrt(D_HID))
    b2 = jnp.zeros((D_OUT,), dtype=jnp.float32)
    return {"x": x, "edge_index": edge_index, "W1": W1, "b1": b1, "W2": W2, "b2": b2}


def reference(x, edge_index, W1, b1, W2, b2):
    h = gcn_conv(x, edge_index, W1, b1, N_NODES)
    h = gcn_conv(h, edge_index, W2, b2, N_NODES)
    # gumbel_softmax with deterministic noise key (faithful math, fixed RNG)
    noise = jax.random.uniform(jax.random.key(42), h.shape, dtype=h.dtype)
    gumbel_noise = -jnp.log(-jnp.log(noise + 1e-09) + 1e-09)
    y = h + gumbel_noise
    return jax.nn.softmax(y / GUMBEL_TEMP, axis=-1)

if __name__ == "__main__":
    import jax
    _d = setup_inputs()
    print(jax.jit(kernel)(*tuple(_d.values())))

</pallas_src>

<mosaic_0001>
#map = affine_map<(d0, d1) -> (0)>
#map1 = affine_map<(d0, d1) -> (0, 0)>
module attributes {stable_mosaic.version = 14 : i64} {
  func.func @_sc_body(%arg0: i32, %arg1: i32, %arg2: memref<640000xi32, #tpu.memory_space<hbm>>, %arg3: memref<2x10240xf32, #tpu.memory_space<hbm>>, %arg4: memref<16xf32, #tpu.memory_space<hbm>>, %arg5: memref<2x10240xf32, #tpu.memory_space<hbm>>, %arg6: memref<20000xi32, #tpu.memory_space<vmem>>, %arg7: memref<20000xi32, #tpu.memory_space<vmem>>, %arg8: memref<10240xf32, #tpu.memory_space<vmem>>, %arg9: memref<10240xf32, #tpu.memory_space<vmem>>, %arg10: memref<10240xf32, #tpu.memory_space<vmem>>, %arg11: memref<16x640xf32, #tpu.memory_space<vmem>>, %arg12: memref<16xf32, #tpu.memory_space<vmem>>, %arg13: memref<16x10240xf32, #tpu.memory_space<vmem_shared>>, %arg14: memref<10240xf32, #tpu.memory_space<vmem_shared>>, %arg15: memref<!tpu.dma_semaphore, #tpu.memory_space<semaphore_mem>>, %arg16: memref<!tpu.dma_semaphore, #tpu.memory_space<semaphore_mem>>) attributes {dimension_semantics = [#tpu.dimension_semantics<core_parallel>, #tpu.dimension_semantics<subcore_parallel>], iteration_bounds = array<i64: 2, 16>, scalar_prefetch = 0 : i64, scratch_operands = 11 : i64, tpu.core_type = #tpu.core_type<sc_vector_subcore>, window_params = [{transform_indices = #map}, {transform_indices = #map1}, {transform_indices = #map}, {transform_indices = #map1}]} {
    %mul3A = arith.constant 640 : i32
    %mul3A_0 = arith.muli %arg1, %mul3A : i32
    %mul3A_1 = arith.constant 20000 : i32
    %mul3A_2 = arith.muli %arg1, %mul3A_1 : i32
    %add3A = arith.constant 320000 : i32
    %add3A_3 = arith.addi %add3A, %mul3A_2 : i32
    %dma_start3A = tpu.memref_slice %arg2[%add3A_3] : memref<640000xi32, #tpu.memory_space<hbm>> -> memref<20000xi32, #tpu.memory_space<hbm>>
    %dma_start3A_4 = tpu.memref_slice %arg2[%add3A_3] : memref<640000xi32, #tpu.memory_space<hbm>> -> memref<20000xi32, #tpu.memory_space<hbm>>
    tpu.enqueue_dma source(%dma_start3A_4 : memref<20000xi32, #tpu.memory_space<hbm>>) target(%arg7 : memref<20000xi32, #tpu.memory_space<vmem>>) target_semaphore(%arg15 : memref<!tpu.dma_semaphore, #tpu.memory_space<semaphore_mem>>)
    %mul3A_5 = arith.constant 20000 : i32
    %mul3A_6 = arith.muli %arg1, %mul3A_5 : i32
    %dma_start3A_7 = tpu.memref_slice %arg2[%mul3A_6] : memref<640000xi32, #tpu.memory_space<hbm>> -> memref<20000xi32, #tpu.memory_space<hbm>>
    %dma_start3A_8 = tpu.memref_slice %arg2[%mul3A_6] : memref<640000xi32, #tpu.memory_space<hbm>> -> memref<20000xi32, #tpu.memory_space<hbm>>
    tpu.enqueue_dma source(%dma_start3A_8 : memref<20000xi32, #tpu.memory_space<hbm>>) target(%arg6 : memref<20000xi32, #tpu.memory_space<vmem>>) target_semaphore(%arg16 : memref<!tpu.dma_semaphore, #tpu.memory_space<semaphore_mem>>)
    %dma_start3A_9 = arith.constant 0 : i32
    %dma_start3A_10 = tpu.memref_slice %arg3[%arg0, %dma_start3A_9] : memref<2x10240xf32, #tpu.memory_space<hbm>> -> memref<1x10240xf32, #tpu.memory_space<hbm>>
    %dma_start3A_11 = tpu.memref_squeeze %dma_start3A_10 : memref<1x10240xf32, #tpu.memory_space<hbm>> -> memref<10240xf32, #tpu.memory_space<hbm>>
    %dma_start3A_12 = arith.constant 0 : i32
    %dma_start3A_13 = tpu.memref_slice %arg3[%arg0, %dma_start3A_12] : memref<2x10240xf32, #tpu.memory_space<hbm>> -> memref<1x10240xf32, #tpu.memory_space<hbm>>
    %dma_start3A_14 = tpu.memref_squeeze %dma_start3A_13 : memref<1x10240xf32, #tpu.memory_space<hbm>> -> memref<10240xf32, #tpu.memory_space<hbm>>
    tpu.enqueue_dma source(%dma_start3A_14 : memref<10240xf32, #tpu.memory_space<hbm>>) target(%arg9 : memref<10240xf32, #tpu.memory_space<vmem>>) target_semaphore(%arg16 : memref<!tpu.dma_semaphore, #tpu.memory_space<semaphore_mem>>)
    tpu.enqueue_dma source(%arg4 : memref<16xf32, #tpu.memory_space<hbm>>) target(%arg12 : memref<16xf32, #tpu.memory_space<vmem>>) target_semaphore(%arg16 : memref<!tpu.dma_semaphore, #tpu.memory_space<semaphore_mem>>)
    %broadcast_in_dim3A = arith.constant 0.000000e+00 : f32
    %broadcast_in_dim3A_15 = vector.broadcast %broadcast_in_dim3A : f32 to vector<16xf32>
    %scan3A = arith.constant 0 : i32
    %scan3A_16 = arith.constant 0 : i32
    %scan3A_17 = arith.constant 80 : i32
    %scan3A_18 = arith.addi %scan3A_16, %scan3A_17 : i32
    %scan3A_19 = arith.constant 1 : i32
    %scan3A_20 = scf.for %scan3A_118 = %scan3A_16 to %scan3A_18 step %scan3A_19 iter_args(%scan3A_119 = %scan3A) -> (i32)  : i32 {
      %mul3A_120 = arith.constant 128 : i32
      %mul3A_121 = arith.muli %scan3A_118, %mul3A_120 : i32
      %add3A_122 = arith.constant 0 : i32
      %add3A_123 = arith.addi %mul3A_121, %add3A_122 : i32
      %swap3A = arith.index_cast %add3A_123 : i32 to index
      %swap3A_124 = tpu.vector_load %arg8[%swap3A] {strides = array<i32>} : memref<10240xf32, #tpu.memory_space<vmem>>, vector<16xf32>,
      tpu.vector_store %arg8[%swap3A], %broadcast_in_dim3A_15 {strides = array<i32>} : memref<10240xf32, #tpu.memory_space<vmem>>, vector<16xf32>,
      %add3A_125 = arith.constant 16 : i32
      %add3A_126 = arith.addi %mul3A_121, %add3A_125 : i32
      %swap3A_127 = arith.index_cast %add3A_126 : i32 to index
      %swap3A_128 = tpu.vector_load %arg8[%swap3A_127] {strides = array<i32>} : memref<10240xf32, #tpu.memory_space<vmem>>, vector<16xf32>,
      tpu.vector_store %arg8[%swap3A_127], %broadcast_in_dim3A_15 {strides = array<i32>} : memref<10240xf32, #tpu.memory_space<vmem>>, vector<16xf32>,
      %add3A_129 = arith.constant 32 : i32
      %add3A_130 = arith.addi %mul3A_121, %add3A_129 : i32
      %swap3A_131 = arith.index_cast %add3A_130 : i32 to index
      %swap3A_132 = tpu.vector_load %arg8[%swap3A_131] {strides = array<i32>} : memref<10240xf32, #tpu.memory_space<vmem>>, vector<16xf32>,
      tpu.vector_store %arg8[%swap3A_131], %broadcast_in_dim3A_15 {strides = array<i32>} : memref<10240xf32, #tpu.memory_space<vmem>>, vector<16xf32>,
      %add3A_133 = arith.constant 48 : i32
      %add3A_134 = arith.addi %mul3A_121, %add3A_133 : i32
      %swap3A_135 = arith.index_cast %add3A_134 : i32 to index
      %swap3A_136 = tpu.vector_load %arg8[%swap3A_135] {strides = array<i32>} : memref<10240xf32, #tpu.memory_space<vmem>>, vector<16xf32>,
      tpu.vector_store %arg8[%swap3A_135], %broadcast_in_dim3A_15 {strides = array<i32>} : memref<10240xf32, #tpu.memory_space<vmem>>, vector<16xf32>,
      %add3A_137 = arith.constant 64 : i32
      %add3A_138 = arith.addi %mul3A_121, %add3A_137 : i32
      %swap3A_139 = arith.index_cast %add3A_138 : i32 to index
      %swap3A_140 = tpu.vector_load %arg8[%swap3A_139] {strides = array<i32>} : memref<10240xf32, #tpu.memory_space<vmem>>, vector<16xf32>,
      tpu.vector_store %arg8[%swap3A_139], %broadcast_in_dim3A_15 {strides = array<i32>} : memref<10240xf32, #tpu.memory_space<vmem>>, vector<16xf32>,
      %add3A_141 = arith.constant 80 : i32
      %add3A_142 = arith.addi %mul3A_121, %add3A_141 : i32
      %swap3A_143 = arith.index_cast %add3A_142 : i32 to index
      %swap3A_144 = tpu.vector_load %arg8[%swap3A_143] {strides = array<i32>} : memref<10240xf32, #tpu.memory_space<vmem>>, vector<16xf32>,
      tpu.vector_store %arg8[%swap3A_143], %broadcast_in_dim3A_15 {strides = array<i32>} : memref<10240xf32, #tpu.memory_space<vmem>>, vector<16xf32>,
      %add3A_145 = arith.constant 96 : i32
      %add3A_146 = arith.addi %mul3A_121, %add3A_145 : i32
      %swap3A_147 = arith.index_cast %add3A_146 : i32 to index
      %swap3A_148 = tpu.vector_load %arg8[%swap3A_147] {strides = array<i32>} : memref<10240xf32, #tpu.memory_space<vmem>>, vector<16xf32>,
      tpu.vector_store %arg8[%swap3A_147], %broadcast_in_dim3A_15 {strides = array<i32>} : memref<10240xf32, #tpu.memory_space<vmem>>, vector<16xf32>,
      %add3A_149 = arith.constant 112 : i32
      %add3A_150 = arith.addi %mul3A_121, %add3A_149 : i32
      %swap3A_151 = arith.index_cast %add3A_150 : i32 to index
      %swap3A_152 = tpu.vector_load %arg8[%swap3A_151] {strides = array<i32>} : memref<10240xf32, #tpu.memory_space<vmem>>, vector<16xf32>,
      tpu.vector_store %arg8[%swap3A_151], %broadcast_in_dim3A_15 {strides = array<i32>} : memref<10240xf32, #tpu.memory_space<vmem>>, vector<16xf32>,
      %scan3A_153 = arith.constant 0 : i32
      scf.yield %scan3A_153 : i32
    }
    %scan3A_21 = arith.constant 80 : i32
    %dma_wait3A = tpu.memref_slice %arg2[%add3A_3] : memref<640000xi32, #tpu.memory_space<hbm>> -> memref<20000xi32, #tpu.memory_space<hbm>>
    %dma_wait3A_22 = tpu.memref_slice %arg2[%add3A_3] : memref<640000xi32, #tpu.memory_space<hbm>> -> memref<20000xi32, #tpu.memory_space<hbm>>
    tpu.wait_dma2 semaphore(%arg15 : memref<!tpu.dma_semaphore, #tpu.memory_space<semaphore_mem>>) src(%dma_wait3A_22 : memref<20000xi32, #tpu.memory_space<hbm>>) dst(%arg7 : memref<20000xi32, #tpu.memory_space<vmem>>)
    %broadcast_in_dim3A_23 = arith.constant 1.000000e+00 : f32
    %broadcast_in_dim3A_24 = vector.broadcast %broadcast_in_dim3A_23 : f32 to vector<16xf32>
    %scan3A_25 = arith.constant 0 : i32
    %scan3A_26 = arith.constant 0 : i32
    %scan3A_27 = arith.constant 125 : i32
    %scan3A_28 = arith.addi %scan3A_26, %scan3A_27 : i32
    %scan3A_29 = arith.constant 1 : i32
    %scan3A_30 = scf.for %scan3A_118 = %scan3A_26 to %scan3A_28 step %scan3A_29 iter_args(%scan3A_119 = %scan3A_25) -> (i32)  : i32 {
      %mul3A_120 = arith.constant 160 : i32
      %mul3A_121 = arith.muli %scan3A_118, %mul3A_120 : i32
      %add3A_122 = arith.constant 0 : i32
      %add3A_123 = arith.addi %mul3A_121, %add3A_122 : i32
      %get3A = arith.index_cast %add3A_123 : i32 to index
      %get3A_124 = tpu.vector_load %arg7[%get3A] {strides = array<i32>} : memref<20000xi32, #tpu.memory_space<vmem>>, vector<16xi32>,
      tpu.vector_store_idx %arg8[%get3A_124], %broadcast_in_dim3A_24 {add = true} : memref<10240xf32, #tpu.memory_space<vmem>>[vector<16xi32>], vector<16xf32>,
      %add3A_125 = arith.constant 16 : i32
      %add3A_126 = arith.addi %mul3A_121, %add3A_125 : i32
      %get3A_127 = arith.index_cast %add3A_126 : i32 to index
      %get3A_128 = tpu.vector_load %arg7[%get3A_127] {strides = array<i32>} : memref<20000xi32, #tpu.memory_space<vmem>>, vector<16xi32>,
      tpu.vector_store_idx %arg8[%get3A_128], %broadcast_in_dim3A_24 {add = true} : memref<10240xf32, #tpu.memory_space<vmem>>[vector<16xi32>], vector<16xf32>,
      %add3A_129 = arith.constant 32 : i32
      %add3A_130 = arith.addi %mul3A_121, %add3A_129 : i32
      %get3A_131 = arith.index_cast %add3A_130 : i32 to index
      %get3A_132 = tpu.vector_load %arg7[%get3A_131] {strides = array<i32>} : memref<20000xi32, #tpu.memory_space<vmem>>, vector<16xi32>,
      tpu.vector_store_idx %arg8[%get3A_132], %broadcast_in_dim3A_24 {add = true} : memref<10240xf32, #tpu.memory_space<vmem>>[vector<16xi32>], vector<16xf32>,
      %add3A_133 = arith.constant 48 : i32
      %add3A_134 = arith.addi %mul3A_121, %add3A_133 : i32
      %get3A_135 = arith.index_cast %add3A_134 : i32 to index
      %get3A_136 = tpu.vector_load %arg7[%get3A_135] {strides = array<i32>} : memref<20000xi32, #tpu.memory_space<vmem>>, vector<16xi32>,
      tpu.vector_store_idx %arg8[%get3A_136], %broadcast_in_dim3A_24 {add = true} : memref<10240xf32, #tpu.memory_space<vmem>>[vector<16xi32>], vector<16xf32>,
      %add3A_137 = arith.constant 64 : i32
      %add3A_138 = arith.addi %mul3A_121, %add3A_137 : i32
      %get3A_139 = arith.index_cast %add3A_138 : i32 to index
      %get3A_140 = tpu.vector_load %arg7[%get3A_139] {strides = array<i32>} : memref<20000xi32, #tpu.memory_space<vmem>>, vector<16xi32>,
      tpu.vector_store_idx %arg8[%get3A_140], %broadcast_in_dim3A_24 {add = true} : memref<10240xf32, #tpu.memory_space<vmem>>[vector<16xi32>], vector<16xf32>,
      %add3A_141 = arith.constant 80 : i32
      %add3A_142 = arith.addi %mul3A_121, %add3A_141 : i32
      %get3A_143 = arith.index_cast %add3A_142 : i32 to index
      %get3A_144 = tpu.vector_load %arg7[%get3A_143] {strides = array<i32>} : memref<20000xi32, #tpu.memory_space<vmem>>, vector<16xi32>,
      tpu.vector_store_idx %arg8[%get3A_144], %broadcast_in_dim3A_24 {add = true} : memref<10240xf32, #tpu.memory_space<vmem>>[vector<16xi32>], vector<16xf32>,
      %add3A_145 = arith.constant 96 : i32
      %add3A_146 = arith.addi %mul3A_121, %add3A_145 : i32
      %get3A_147 = arith.index_cast %add3A_146 : i32 to index
      %get3A_148 = tpu.vector_load %arg7[%get3A_147] {strides = array<i32>} : memref<20000xi32, #tpu.memory_space<vmem>>, vector<16xi32>,
      tpu.vector_store_idx %arg8[%get3A_148], %broadcast_in_dim3A_24 {add = true} : memref<10240xf32, #tpu.memory_space<vmem>>[vector<16xi32>], vector<16xf32>,
      %add3A_149 = arith.constant 112 : i32
      %add3A_150 = arith.addi %mul3A_121, %add3A_149 : i32
      %get3A_151 = arith.index_cast %add3A_150 : i32 to index
      %get3A_152 = tpu.vector_load %arg7[%get3A_151] {strides = array<i32>} : memref<20000xi32, #tpu.memory_space<vmem>>, vector<16xi32>,
      tpu.vector_store_idx %arg8[%get3A_152], %broadcast_in_dim3A_24 {add = true} : memref<10240xf32, #tpu.memory_space<vmem>>[vector<16xi32>], vector<16xf32>,
      %add3A_153 = arith.constant 128 : i32
      %add3A_154 = arith.addi %mul3A_121, %add3A_153 : i32
      %get3A_155 = arith.index_cast %add3A_154 : i32 to index
      %get3A_156 = tpu.vector_load %arg7[%get3A_155] {strides = array<i32>} : memref<20000xi32, #tpu.memory_space<vmem>>, vector<16xi32>,
      tpu.vector_store_idx %arg8[%get3A_156], %broadcast_in_dim3A_24 {add = true} : memref<10240xf32, #tpu.memory_space<vmem>>[vector<16xi32>], vector<16xf32>,
      %add3A_157 = arith.constant 144 : i32
      %add3A_158 = arith.addi %mul3A_121, %add3A_157 : i32
      %get3A_159 = arith.index_cast %add3A_158 : i32 to index
      %get3A_160 = tpu.vector_load %arg7[%get3A_159] {strides = array<i32>} : memref<20000xi32, #tpu.memory_space<vmem>>, vector<16xi32>,
      tpu.vector_store_idx %arg8[%get3A_160], %broadcast_in_dim3A_24 {add = true} : memref<10240xf32, #tpu.memory_space<vmem>>[vector<16xi32>], vector<16xf32>,
      %scan3A_161 = arith.constant 0 : i32
      scf.yield %scan3A_161 : i32
    }
    %scan3A_31 = arith.constant 125 : i32
    "tpu.region"() ({
      %run_scoped3A_118 = tpu.sem_alloc : memref<!tpu.dma_semaphore, #tpu.memory_space<semaphore_mem>>
      %dma_start3A_119 = arith.constant 0 : i32
      %dma_start3A_120 = tpu.memref_slice %arg13[%arg1, %dma_start3A_119] : memref<16x10240xf32, #tpu.memory_space<vmem_shared>> -> memref<1x10240xf32, #tpu.memory_space<vmem_shared>>
      %dma_start3A_121 = tpu.memref_squeeze %dma_start3A_120 : memref<1x10240xf32, #tpu.memory_space<vmem_shared>> -> memref<10240xf32, #tpu.memory_space<vmem_shared>>
      %dma_start3A_122 = arith.constant 0 : i32
      %dma_start3A_123 = tpu.memref_slice %arg13[%arg1, %dma_start3A_122] : memref<16x10240xf32, #tpu.memory_space<vmem_shared>> -> memref<1x10240xf32, #tpu.memory_space<vmem_shared>>
      %dma_start3A_124 = tpu.memref_squeeze %dma_start3A_123 : memref<1x10240xf32, #tpu.memory_space<vmem_shared>> -> memref<10240xf32, #tpu.memory_space<vmem_shared>>
      tpu.enqueue_dma source(%arg8 : memref<10240xf32, #tpu.memory_space<vmem>>) target(%dma_start3A_124 : memref<10240xf32, #tpu.memory_space<vmem_shared>>) target_semaphore(%run_scoped3A_118 : memref<!tpu.dma_semaphore, #tpu.memory_space<semaphore_mem>>)
      %dma_wait3A_125 = arith.constant 0 : i32
      %dma_wait3A_126 = tpu.memref_slice %arg13[%arg1, %dma_wait3A_125] : memref<16x10240xf32, #tpu.memory_space<vmem_shared>> -> memref<1x10240xf32, #tpu.memory_space<vmem_shared>>
      %dma_wait3A_127 = tpu.memref_squeeze %dma_wait3A_126 : memref<1x10240xf32, #tpu.memory_space<vmem_shared>> -> memref<10240xf32, #tpu.memory_space<vmem_shared>>
      %dma_wait3A_128 = arith.constant 0 : i32
      %dma_wait3A_129 = tpu.memref_slice %arg13[%arg1, %dma_wait3A_128] : memref<16x10240xf32, #tpu.memory_space<vmem_shared>> -> memref<1x10240xf32, #tpu.memory_space<vmem_shared>>
      %dma_wait3A_130 = tpu.memref_squeeze %dma_wait3A_129 : memref<1x10240xf32, #tpu.memory_space<vmem_shared>> -> memref<10240xf32, #tpu.memory_space<vmem_shared>>
      tpu.wait_dma2 semaphore(%run_scoped3A_118 : memref<!tpu.dma_semaphore, #tpu.memory_space<semaphore_mem>>) src(%arg8 : memref<10240xf32, #tpu.memory_space<vmem>>) dst(%dma_wait3A_130 : memref<10240xf32, #tpu.memory_space<vmem_shared>>)
      tpu.yield
    }) : () -> ()
    %barrier3A = arith.constant 0 : index
    tpu.barrier barrier_id(%barrier3A)
    "tpu.region"() ({
      %run_scoped3A_118 = tpu.sem_alloc : memref<!tpu.dma_semaphore, #tpu.memory_space<semaphore_mem>>
      %dma_start3A_119 = arith.constant 0 : i32
      %dma_start3A_120 = tpu.memref_slice %arg13[%dma_start3A_119, %mul3A_0] : memref<16x10240xf32, #tpu.memory_space<vmem_shared>> -> memref<16x640xf32, #tpu.memory_space<vmem_shared>>
      %dma_start3A_121 = arith.constant 0 : i32
      %dma_start3A_122 = tpu.memref_slice %arg13[%dma_start3A_121, %mul3A_0] : memref<16x10240xf32, #tpu.memory_space<vmem_shared>> -> memref<16x640xf32, #tpu.memory_space<vmem_shared>>
      tpu.enqueue_dma source(%dma_start3A_122 : memref<16x640xf32, #tpu.memory_space<vmem_shared>>) target(%arg11 : memref<16x640xf32, #tpu.memory_space<vmem>>) target_semaphore(%run_scoped3A_118 : memref<!tpu.dma_semaphore, #tpu.memory_space<semaphore_mem>>)
      %dma_wait3A_123 = arith.constant 0 : i32
      %dma_wait3A_124 = tpu.memref_slice %arg13[%dma_wait3A_123, %mul3A_0] : memref<16x10240xf32, #tpu.memory_space<vmem_shared>> -> memref<16x640xf32, #tpu.memory_space<vmem_shared>>
      %dma_wait3A_125 = arith.constant 0 : i32
      %dma_wait3A_126 = tpu.memref_slice %arg13[%dma_wait3A_125, %mul3A_0] : memref<16x10240xf32, #tpu.memory_space<vmem_shared>> -> memref<16x640xf32, #tpu.memory_space<vmem_shared>>
      tpu.wait_dma2 semaphore(%run_scoped3A_118 : memref<!tpu.dma_semaphore, #tpu.memory_space<semaphore_mem>>) src(%dma_wait3A_126 : memref<16x640xf32, #tpu.memory_space<vmem_shared>>) dst(%arg11 : memref<16x640xf32, #tpu.memory_space<vmem>>)
      tpu.yield
    }) : () -> ()
    %scan3A_32 = arith.constant 0 : i32
    %scan3A_33 = arith.constant 0 : i32
    %scan3A_34 = arith.constant 40 : i32
    %scan3A_35 = arith.addi %scan3A_33, %scan3A_34 : i32
    %scan3A_36 = arith.constant 1 : i32
    %scan3A_37 = scf.for %scan3A_118 = %scan3A_33 to %scan3A_35 step %scan3A_36 iter_args(%scan3A_119 = %scan3A_32) -> (i32)  : i32 {
      %mul3A_120 = arith.constant 16 : i32
      %mul3A_121 = arith.muli %scan3A_118, %mul3A_120 : i32
      %get3A = arith.constant 0 : i32
      %get3A_122 = arith.index_cast %get3A : i32 to index
      %get3A_123 = arith.index_cast %mul3A_121 : i32 to index
      %get3A_124 = tpu.vector_load %arg11[%get3A_122, %get3A_123] {strides = array<i32>} : memref<16x640xf32, #tpu.memory_space<vmem>>, vector<16xf32>,
      %mul3A_125 = arith.constant 16 : i32
      %mul3A_126 = arith.muli %scan3A_118, %mul3A_125 : i32
      %get3A_127 = arith.constant 1 : i32
      %get3A_128 = arith.index_cast %get3A_127 : i32 to index
      %get3A_129 = arith.index_cast %mul3A_126 : i32 to index
      %get3A_130 = tpu.vector_load %arg11[%get3A_128, %get3A_129] {strides = array<i32>} : memref<16x640xf32, #tpu.memory_space<vmem>>, vector<16xf32>,
      %add3A_131 = arith.addf %get3A_124, %get3A_130 : vector<16xf32>
      %mul3A_132 = arith.constant 16 : i32
      %mul3A_133 = arith.muli %scan3A_118, %mul3A_132 : i32
      %get3A_134 = arith.constant 2 : i32
      %get3A_135 = arith.index_cast %get3A_134 : i32 to index
      %get3A_136 = arith.index_cast %mul3A_133 : i32 to index
      %get3A_137 = tpu.vector_load %arg11[%get3A_135, %get3A_136] {strides = array<i32>} : memref<16x640xf32, #tpu.memory_space<vmem>>, vector<16xf32>,
      %add3A_138 = arith.addf %add3A_131, %get3A_137 : vector<16xf32>
      %mul3A_139 = arith.constant 16 : i32
      %mul3A_140 = arith.muli %scan3A_118, %mul3A_139 : i32
      %get3A_141 = arith.constant 3 : i32
      %get3A_142 = arith.index_cast %get3A_141 : i32 to index
      %get3A_143 = arith.index_cast %mul3A_140 : i32 to index
      %get3A_144 = tpu.vector_load %arg11[%get3A_142, %get3A_143] {strides = array<i32>} : memref<16x640xf32, #tpu.memory_space<vmem>>, vector<16xf32>,
      %add3A_145 = arith.addf %add3A_138, %get3A_144 : vector<16xf32>
      %mul3A_146 = arith.constant 16 : i32
      %mul3A_147 = arith.muli %scan3A_118, %mul3A_146 : i32
      %get3A_148 = arith.constant 4 : i32
      %get3A_149 = arith.index_cast %get3A_148 : i32 to index
      %get3A_150 = arith.index_cast %mul3A_147 : i32 to index
      %get3A_151 = tpu.vector_load %arg11[%get3A_149, %get3A_150] {strides = array<i32>} : memref<16x640xf32, #tpu.memory_space<vmem>>, vector<16xf32>,
      %add3A_152 = arith.addf %add3A_145, %get3A_151 : vector<16xf32>
      %mul3A_153 = arith.constant 16 : i32
      %mul3A_154 = arith.muli %scan3A_118, %mul3A_153 : i32
      %get3A_155 = arith.constant 5 : i32
      %get3A_156 = arith.index_cast %get3A_155 : i32 to index
      %get3A_157 = arith.index_cast %mul3A_154 : i32 to index
      %get3A_158 = tpu.vector_load %arg11[%get3A_156, %get3A_157] {strides = array<i32>} : memref<16x640xf32, #tpu.memory_space<vmem>>, vector<16xf32>,
      %add3A_159 = arith.addf %add3A_152, %get3A_158 : vector<16xf32>
      %mul3A_160 = arith.constant 16 : i32
      %mul3A_161 = arith.muli %scan3A_118, %mul3A_160 : i32
      %get3A_162 = arith.constant 6 : i32
      %get3A_163 = arith.index_cast %get3A_162 : i32 to index
      %get3A_164 = arith.index_cast %mul3A_161 : i32 to index
      %get3A_165 = tpu.vector_load %arg11[%get3A_163, %get3A_164] {strides = array<i32>} : memref<16x640xf32, #tpu.memory_space<vmem>>, vector<16xf32>,
      %add3A_166 = arith.addf %add3A_159, %get3A_165 : vector<16xf32>
      %mul3A_167 = arith.constant 16 : i32
      %mul3A_168 = arith.muli %scan3A_118, %mul3A_167 : i32
      %get3A_169 = arith.constant 7 : i32
      %get3A_170 = arith.index_cast %get3A_169 : i32 to index
      %get3A_171 = arith.index_cast %mul3A_168 : i32 to index
      %get3A_172 = tpu.vector_load %arg11[%get3A_170, %get3A_171] {strides = array<i32>} : memref<16x640xf32, #tpu.memory_space<vmem>>, vector<16xf32>,
      %add3A_173 = arith.addf %add3A_166, %get3A_172 : vector<16xf32>
      %mul3A_174 = arith.constant 16 : i32
      %mul3A_175 = arith.muli %scan3A_118, %mul3A_174 : i32
      %get3A_176 = arith.constant 8 : i32
      %get3A_177 = arith.index_cast %get3A_176 : i32 to index
      %get3A_178 = arith.index_cast %mul3A_175 : i32 to index
      %get3A_179 = tpu.vector_load %arg11[%get3A_177, %get3A_178] {strides = array<i32>} : memref<16x640xf32, #tpu.memory_space<vmem>>, vector<16xf32>,
      %add3A_180 = arith.addf %add3A_173, %get3A_179 : vector<16xf32>
      %mul3A_181 = arith.constant 16 : i32
      %mul3A_182 = arith.muli %scan3A_118, %mul3A_181 : i32
      %get3A_183 = arith.constant 9 : i32
      %get3A_184 = arith.index_cast %get3A_183 : i32 to index
      %get3A_185 = arith.index_cast %mul3A_182 : i32 to index
      %get3A_186 = tpu.vector_load %arg11[%get3A_184, %get3A_185] {strides = array<i32>} : memref<16x640xf32, #tpu.memory_space<vmem>>, vector<16xf32>,
      %add3A_187 = arith.addf %add3A_180, %get3A_186 : vector<16xf32>
      %mul3A_188 = arith.constant 16 : i32
      %mul3A_189 = arith.muli %scan3A_118, %mul3A_188 : i32
      %get3A_190 = arith.constant 10 : i32
      %get3A_191 = arith.index_cast %get3A_190 : i32 to index
      %get3A_192 = arith.index_cast %mul3A_189 : i32 to index
      %get3A_193 = tpu.vector_load %arg11[%get3A_191, %get3A_192] {strides = array<i32>} : memref<16x640xf32, #tpu.memory_space<vmem>>, vector<16xf32>,
      %add3A_194 = arith.addf %add3A_187, %get3A_193 : vector<16xf32>
      %mul3A_195 = arith.constant 16 : i32
      %mul3A_196 = arith.muli %scan3A_118, %mul3A_195 : i32
      %get3A_197 = arith.constant 11 : i32
      %get3A_198 = arith.index_cast %get3A_197 : i32 to index
      %get3A_199 = arith.index_cast %mul3A_196 : i32 to index
      %get3A_200 = tpu.vector_load %arg11[%get3A_198, %get3A_199] {strides = array<i32>} : memref<16x640xf32, #tpu.memory_space<vmem>>, vector<16xf32>,
      %add3A_201 = arith.addf %add3A_194, %get3A_200 : vector<16xf32>
      %mul3A_202 = arith.constant 16 : i32
      %mul3A_203 = arith.muli %scan3A_118, %mul3A_202 : i32
      %get3A_204 = arith.constant 12 : i32
      %get3A_205 = arith.index_cast %get3A_204 : i32 to index
      %get3A_206 = arith.index_cast %mul3A_203 : i32 to index
      %get3A_207 = tpu.vector_load %arg11[%get3A_205, %get3A_206] {strides = array<i32>} : memref<16x640xf32, #tpu.memory_space<vmem>>, vector<16xf32>,
      %add3A_208 = arith.addf %add3A_201, %get3A_207 : vector<16xf32>
      %mul3A_209 = arith.constant 16 : i32
      %mul3A_210 = arith.muli %scan3A_118, %mul3A_209 : i32
      %get3A_211 = arith.constant 13 : i32
      %get3A_212 = arith.index_cast %get3A_211 : i32 to index
      %get3A_213 = arith.index_cast %mul3A_210 : i32 to index
      %get3A_214 = tpu.vector_load %arg11[%get3A_212, %get3A_213] {strides = array<i32>} : memref<16x640xf32, #tpu.memory_space<vmem>>, vector<16xf32>,
      %add3A_215 = arith.addf %add3A_208, %get3A_214 : vector<16xf32>
      %mul3A_216 = arith.constant 16 : i32
      %mul3A_217 = arith.muli %scan3A_118, %mul3A_216 : i32
      %get3A_218 = arith.constant 14 : i32
      %get3A_219 = arith.index_cast %get3A_218 : i32 to index
      %get3A_220 = arith.index_cast %mul3A_217 : i32 to index
      %get3A_221 = tpu.vector_load %arg11[%get3A_219, %get3A_220] {strides = array<i32>} : memref<16x640xf32, #tpu.memory_space<vmem>>, vector<16xf32>,
      %add3A_222 = arith.addf %add3A_215, %get3A_221 : vector<16xf32>
      %mul3A_223 = arith.constant 16 : i32
      %mul3A_224 = arith.muli %scan3A_118, %mul3A_223 : i32
      %get3A_225 = arith.constant 15 : i32
      %get3A_226 = arith.index_cast %get3A_225 : i32 to index
      %get3A_227 = arith.index_cast %mul3A_224 : i32 to index
      %get3A_228 = tpu.vector_load %arg11[%get3A_226, %get3A_227] {strides = array<i32>} : memref<16x640xf32, #tpu.memory_space<vmem>>, vector<16xf32>,
      %add3A_229 = arith.addf %add3A_222, %get3A_228 : vector<16xf32>
      %add3A_230 = arith.constant 1.000000e+00 : f32
      %add3A_231 = vector.broadcast %add3A_230 : f32 to vector<16xf32>
      %add3A_232 = arith.addf %add3A_229, %add3A_231 : vector<16xf32>
      %bitcast3A = vector.bitcast %add3A_232 : vector<16xf32> to vector<16xi32>
      %shift_right_arithmetic3A = arith.constant 1 : i32
      %shift_right_arithmetic3A_233 = vector.broadcast %shift_right_arithmetic3A : i32 to vector<16xi32>
      %shift_right_arithmetic3A_234 = arith.shrsi %bitcast3A, %shift_right_arithmetic3A_233 : vector<16xi32>
      %sub3A = arith.constant 1597463007 : i32
      %sub3A_235 = vector.broadcast %sub3A : i32 to vector<16xi32>
      %sub3A_236 = arith.subi %sub3A_235, %shift_right_arithmetic3A_234 : vector<16xi32>
      %bitcast3A_237 = vector.bitcast %sub3A_236 : vector<16xi32> to vector<16xf32>
      %mul3A_238 = arith.constant 5.000000e-01 : f32
      %mul3A_239 = vector.broadcast %mul3A_238 : f32 to vector<16xf32>
      %mul3A_240 = arith.mulf %mul3A_239, %add3A_232 : vector<16xf32>
      %mul3A_241 = arith.mulf %mul3A_240, %bitcast3A_237 : vector<16xf32>
      %mul3A_242 = arith.mulf %mul3A_241, %bitcast3A_237 : vector<16xf32>
      %sub3A_243 = arith.constant 1.500000e+00 : f32
      %sub3A_244 = vector.broadcast %sub3A_243 : f32 to vector<16xf32>
      %sub3A_245 = arith.subf %sub3A_244, %mul3A_242 : vector<16xf32>
      %mul3A_246 = arith.mulf %bitcast3A_237, %sub3A_245 : vector<16xf32>
      %mul3A_247 = arith.constant 5.000000e-01 : f32
      %mul3A_248 = vector.broadcast %mul3A_247 : f32 to vector<16xf32>
      %mul3A_249 = arith.mulf %mul3A_248, %add3A_232 : vector<16xf32>
      %mul3A_250 = arith.mulf %mul3A_249, %mul3A_246 : vector<16xf32>
      %mul3A_251 = arith.mulf %mul3A_250, %mul3A_246 : vector<16xf32>
      %sub3A_252 = arith.constant 1.500000e+00 : f32
      %sub3A_253 = vector.broadcast %sub3A_252 : f32 to vector<16xf32>
      %sub3A_254 = arith.subf %sub3A_253, %mul3A_251 : vector<16xf32>
      %mul3A_255 = arith.mulf %mul3A_246, %sub3A_254 : vector<16xf32>
      %mul3A_256 = arith.constant 5.000000e-01 : f32
      %mul3A_257 = vector.broadcast %mul3A_256 : f32 to vector<16xf32>
      %mul3A_258 = arith.mulf %mul3A_257, %add3A_232 : vector<16xf32>
      %mul3A_259 = arith.mulf %mul3A_258, %mul3A_255 : vector<16xf32>
      %mul3A_260 = arith.mulf %mul3A_259, %mul3A_255 : vector<16xf32>
      %sub3A_261 = arith.constant 1.500000e+00 : f32
      %sub3A_262 = vector.broadcast %sub3A_261 : f32 to vector<16xf32>
      %sub3A_263 = arith.subf %sub3A_262, %mul3A_260 : vector<16xf32>
      %mul3A_264 = arith.mulf %mul3A_255, %sub3A_263 : vector<16xf32>
      %mul3A_265 = arith.constant 16 : i32
      %mul3A_266 = arith.muli %scan3A_118, %mul3A_265 : i32
      %swap3A = arith.constant 0 : i32
      %swap3A_267 = arith.index_cast %swap3A : i32 to index
      %swap3A_268 = arith.index_cast %mul3A_266 : i32 to index
      %swap3A_269 = tpu.vector_load %arg11[%swap3A_267, %swap3A_268] {strides = array<i32>} : memref<16x640xf32, #tpu.memory_space<vmem>>, vector<16xf32>,
      tpu.vector_store %arg11[%swap3A_267, %swap3A_268], %mul3A_264 {strides = array<i32>} : memref<16x640xf32, #tpu.memory_space<vmem>>, vector<16xf32>,
      %scan3A_270 = arith.constant 0 : i32
      scf.yield %scan3A_270 : i32
    }
    %scan3A_38 = arith.constant 40 : i32
    %run_scoped3A = arith.constant 0 : i32
    "tpu.region"() ({
      %run_scoped3A_118 = tpu.sem_alloc : memref<!tpu.dma_semaphore, #tpu.memory_space<semaphore_mem>>
      %dma_start3A_119 = arith.constant 0 : i32
      %dma_start3A_120 = tpu.memref_slice %arg11[%run_scoped3A, %dma_start3A_119] : memref<16x640xf32, #tpu.memory_space<vmem>> -> memref<1x640xf32, #tpu.memory_space<vmem>>
      %dma_start3A_121 = tpu.memref_squeeze %dma_start3A_120 : memref<1x640xf32, #tpu.memory_space<vmem>> -> memref<640xf32, #tpu.memory_space<vmem>>
      %dma_start3A_122 = tpu.memref_slice %arg14[%mul3A_0] : memref<10240xf32, #tpu.memory_space<vmem_shared>> -> memref<640xf32, #tpu.memory_space<vmem_shared>>
      %dma_start3A_123 = tpu.memref_slice %arg14[%mul3A_0] : memref<10240xf32, #tpu.memory_space<vmem_shared>> -> memref<640xf32, #tpu.memory_space<vmem_shared>>
      %dma_start3A_124 = arith.constant 0 : i32
      %dma_start3A_125 = tpu.memref_slice %arg11[%run_scoped3A, %dma_start3A_124] : memref<16x640xf32, #tpu.memory_space<vmem>> -> memref<1x640xf32, #tpu.memory_space<vmem>>
      %dma_start3A_126 = tpu.memref_squeeze %dma_start3A_125 : memref<1x640xf32, #tpu.memory_space<vmem>> -> memref<640xf32, #tpu.memory_space<vmem>>
      tpu.enqueue_dma source(%dma_start3A_126 : memref<640xf32, #tpu.memory_space<vmem>>) target(%dma_start3A_123 : memref<640xf32, #tpu.memory_space<vmem_shared>>) target_semaphore(%run_scoped3A_118 : memref<!tpu.dma_semaphore, #tpu.memory_space<semaphore_mem>>)
      %dma_wait3A_127 = arith.constant 0 : i32
      %dma_wait3A_128 = tpu.memref_slice %arg11[%run_scoped3A, %dma_wait3A_127] : memref<16x640xf32, #tpu.memory_space<vmem>> -> memref<1x640xf32, #tpu.memory_space<vmem>>
      %dma_wait3A_129 = tpu.memref_squeeze %dma_wait3A_128 : memref<1x640xf32, #tpu.memory_space<vmem>> -> memref<640xf32, #tpu.memory_space<vmem>>
      %dma_wait3A_130 = tpu.memref_slice %arg14[%mul3A_0] : memref<10240xf32, #tpu.memory_space<vmem_shared>> -> memref<640xf32, #tpu.memory_space<vmem_shared>>
      %dma_wait3A_131 = tpu.memref_slice %arg14[%mul3A_0] : memref<10240xf32, #tpu.memory_space<vmem_shared>> -> memref<640xf32, #tpu.memory_space<vmem_shared>>
      %dma_wait3A_132 = arith.constant 0 : i32
      %dma_wait3A_133 = tpu.memref_slice %arg11[%run_scoped3A, %dma_wait3A_132] : memref<16x640xf32, #tpu.memory_space<vmem>> -> memref<1x640xf32, #tpu.memory_space<vmem>>
      %dma_wait3A_134 = tpu.memref_squeeze %dma_wait3A_133 : memref<1x640xf32, #tpu.memory_space<vmem>> -> memref<640xf32, #tpu.memory_space<vmem>>
      tpu.wait_dma2 semaphore(%run_scoped3A_118 : memref<!tpu.dma_semaphore, #tpu.memory_space<semaphore_mem>>) src(%dma_wait3A_134 : memref<640xf32, #tpu.memory_space<vmem>>) dst(%dma_wait3A_131 : memref<640xf32, #tpu.memory_space<vmem_shared>>)
      tpu.yield
    }) : () -> ()
    %barrier3A_39 = arith.constant 0 : index
    tpu.barrier barrier_id(%barrier3A_39)
    "tpu.region"() ({
      %run_scoped3A_118 = tpu.sem_alloc : memref<!tpu.dma_semaphore, #tpu.memory_space<semaphore_mem>>
      tpu.enqueue_dma source(%arg14 : memref<10240xf32, #tpu.memory_space<vmem_shared>>) target(%arg10 : memref<10240xf32, #tpu.memory_space<vmem>>) target_semaphore(%run_scoped3A_118 : memref<!tpu.dma_semaphore, #tpu.memory_space<semaphore_mem>>)
      tpu.wait_dma2 semaphore(%run_scoped3A_118 : memref<!tpu.dma_semaphore, #tpu.memory_space<semaphore_mem>>) src(%arg14 : memref<10240xf32, #tpu.memory_space<vmem_shared>>) dst(%arg10 : memref<10240xf32, #tpu.memory_space<vmem>>)
      tpu.yield
    }) : () -> ()
    %dma_wait3A_40 = tpu.memref_slice %arg2[%mul3A_6] : memref<640000xi32, #tpu.memory_space<hbm>> -> memref<20000xi32, #tpu.memory_space<hbm>>
    %dma_wait3A_41 = tpu.memref_slice %arg2[%mul3A_6] : memref<640000xi32, #tpu.memory_space<hbm>> -> memref<20000xi32, #tpu.memory_space<hbm>>
    tpu.wait_dma2 semaphore(%arg16 : memref<!tpu.dma_semaphore, #tpu.memory_space<semaphore_mem>>) src(%dma_wait3A_41 : memref<20000xi32, #tpu.memory_space<hbm>>) dst(%arg6 : memref<20000xi32, #tpu.memory_space<vmem>>)
    %dma_wait3A_42 = arith.constant 0 : i32
    %dma_wait3A_43 = tpu.memref_slice %arg3[%arg0, %dma_wait3A_42] : memref<2x10240xf32, #tpu.memory_space<hbm>> -> memref<1x10240xf32, #tpu.memory_space<hbm>>
    %dma_wait3A_44 = tpu.memref_squeeze %dma_wait3A_43 : memref<1x10240xf32, #tpu.memory_space<hbm>> -> memref<10240xf32, #tpu.memory_space<hbm>>
    %dma_wait3A_45 = arith.constant 0 : i32
    %dma_wait3A_46 = tpu.memref_slice %arg3[%arg0, %dma_wait3A_45] : memref<2x10240xf32, #tpu.memory_space<hbm>> -> memref<1x10240xf32, #tpu.memory_space<hbm>>
    %dma_wait3A_47 = tpu.memref_squeeze %dma_wait3A_46 : memref<1x10240xf32, #tpu.memory_space<hbm>> -> memref<10240xf32, #tpu.memory_space<hbm>>
    tpu.wait_dma2 semaphore(%arg16 : memref<!tpu.dma_semaphore, #tpu.memory_space<semaphore_mem>>) src(%dma_wait3A_47 : memref<10240xf32, #tpu.memory_space<hbm>>) dst(%arg9 : memref<10240xf32, #tpu.memory_space<vmem>>)
    tpu.wait_dma2 semaphore(%arg16 : memref<!tpu.dma_semaphore, #tpu.memory_space<semaphore_mem>>) src(%arg4 : memref<16xf32, #tpu.memory_space<hbm>>) dst(%arg12 : memref<16xf32, #tpu.memory_space<vmem>>)
    %scan3A_48 = arith.constant 0 : i32
    %scan3A_49 = arith.constant 0 : i32
    %scan3A_50 = arith.constant 80 : i32
    %scan3A_51 = arith.addi %scan3A_49, %scan3A_50 : i32
    %scan3A_52 = arith.constant 1 : i32
    %scan3A_53 = scf.for %scan3A_118 = %scan3A_49 to %scan3A_51 step %scan3A_52 iter_args(%scan3A_119 = %scan3A_48) -> (i32)  : i32 {
      %mul3A_120 = arith.constant 128 : i32
      %mul3A_121 = arith.muli %scan3A_118, %mul3A_120 : i32
      %add3A_122 = arith.constant 0 : i32
      %add3A_123 = arith.addi %mul3A_121, %add3A_122 : i32
      %get3A = arith.index_cast %add3A_123 : i32 to index
      %get3A_124 = tpu.vector_load %arg9[%get3A] {strides = array<i32>} : memref<10240xf32, #tpu.memory_space<vmem>>, vector<16xf32>,
      %get3A_125 = arith.index_cast %add3A_123 : i32 to index
      %get3A_126 = tpu.vector_load %arg10[%get3A_125] {strides = array<i32>} : memref<10240xf32, #tpu.memory_space<vmem>>, vector<16xf32>,
      %mul3A_127 = arith.mulf %get3A_124, %get3A_126 : vector<16xf32>
      %swap3A = arith.index_cast %add3A_123 : i32 to index
      %swap3A_128 = tpu.vector_load %arg9[%swap3A] {strides = array<i32>} : memref<10240xf32, #tpu.memory_space<vmem>>, vector<16xf32>,
      tpu.vector_store %arg9[%swap3A], %mul3A_127 {strides = array<i32>} : memref<10240xf32, #tpu.memory_space<vmem>>, vector<16xf32>,
      %add3A_129 = arith.constant 16 : i32
      %add3A_130 = arith.addi %mul3A_121, %add3A_129 : i32
      %get3A_131 = arith.index_cast %add3A_130 : i32 to index
      %get3A_132 = tpu.vector_load %arg9[%get3A_131] {strides = array<i32>} : memref<10240xf32, #tpu.memory_space<vmem>>, vector<16xf32>,
      %get3A_133 = arith.index_cast %add3A_130 : i32 to index
      %get3A_134 = tpu.vector_load %arg10[%get3A_133] {strides = array<i32>} : memref<10240xf32, #tpu.memory_space<vmem>>, vector<16xf32>,
      %mul3A_135 = arith.mulf %get3A_132, %get3A_134 : vector<16xf32>
      %swap3A_136 = arith.index_cast %add3A_130 : i32 to index
      %swap3A_137 = tpu.vector_load %arg9[%swap3A_136] {strides = array<i32>} : memref<10240xf32, #tpu.memory_space<vmem>>, vector<16xf32>,
      tpu.vector_store %arg9[%swap3A_136], %mul3A_135 {strides = array<i32>} : memref<10240xf32, #tpu.memory_space<vmem>>, vector<16xf32>,
      %add3A_138 = arith.constant 32 : i32
      %add3A_139 = arith.addi %mul3A_121, %add3A_138 : i32
      %get3A_140 = arith.index_cast %add3A_139 : i32 to index
      %get3A_141 = tpu.vector_load %arg9[%get3A_140] {strides = array<i32>} : memref<10240xf32, #tpu.memory_space<vmem>>, vector<16xf32>,
      %get3A_142 = arith.index_cast %add3A_139 : i32 to index
      %get3A_143 = tpu.vector_load %arg10[%get3A_142] {strides = array<i32>} : memref<10240xf32, #tpu.memory_space<vmem>>, vector<16xf32>,
      %mul3A_144 = arith.mulf %get3A_141, %get3A_143 : vector<16xf32>
      %swap3A_145 = arith.index_cast %add3A_139 : i32 to index
      %swap3A_146 = tpu.vector_load %arg9[%swap3A_145] {strides = array<i32>} : memref<10240xf32, #tpu.memory_space<vmem>>, vector<16xf32>,
      tpu.vector_store %arg9[%swap3A_145], %mul3A_144 {strides = array<i32>} : memref<10240xf32, #tpu.memory_space<vmem>>, vector<16xf32>,
      %add3A_147 = arith.constant 48 : i32
      %add3A_148 = arith.addi %mul3A_121, %add3A_147 : i32
      %get3A_149 = arith.index_cast %add3A_148 : i32 to index
      %get3A_150 = tpu.vector_load %arg9[%get3A_149] {strides = array<i32>} : memref<10240xf32, #tpu.memory_space<vmem>>, vector<16xf32>,
      %get3A_151 = arith.index_cast %add3A_148 : i32 to index
      %get3A_152 = tpu.vector_load %arg10[%get3A_151] {strides = array<i32>} : memref<10240xf32, #tpu.memory_space<vmem>>, vector<16xf32>,
      %mul3A_153 = arith.mulf %get3A_150, %get3A_152 : vector<16xf32>
      %swap3A_154 = arith.index_cast %add3A_148 : i32 to index
      %swap3A_155 = tpu.vector_load %arg9[%swap3A_154] {strides = array<i32>} : memref<10240xf32, #tpu.memory_space<vmem>>, vector<16xf32>,
      tpu.vector_store %arg9[%swap3A_154], %mul3A_153 {strides = array<i32>} : memref<10240xf32, #tpu.memory_space<vmem>>, vector<16xf32>,
      %add3A_156 = arith.constant 64 : i32
      %add3A_157 = arith.addi %mul3A_121, %add3A_156 : i32
      %get3A_158 = arith.index_cast %add3A_157 : i32 to index
      %get3A_159 = tpu.vector_load %arg9[%get3A_158] {strides = array<i32>} : memref<10240xf32, #tpu.memory_space<vmem>>, vector<16xf32>,
      %get3A_160 = arith.index_cast %add3A_157 : i32 to index
      %get3A_161 = tpu.vector_load %arg10[%get3A_160] {strides = array<i32>} : memref<10240xf32, #tpu.memory_space<vmem>>, vector<16xf32>,
      %mul3A_162 = arith.mulf %get3A_159, %get3A_161 : vector<16xf32>
      %swap3A_163 = arith.index_cast %add3A_157 : i32 to index
      %swap3A_164 = tpu.vector_load %arg9[%swap3A_163] {strides = array<i32>} : memref<10240xf32, #tpu.memory_space<vmem>>, vector<16xf32>,
      tpu.vector_store %arg9[%swap3A_163], %mul3A_162 {strides = array<i32>} : memref<10240xf32, #tpu.memory_space<vmem>>, vector<16xf32>,
      %add3A_165 = arith.constant 80 : i32
      %add3A_166 = arith.addi %mul3A_121, %add3A_165 : i32
      %get3A_167 = arith.index_cast %add3A_166 : i32 to index
      %get3A_168 = tpu.vector_load %arg9[%get3A_167] {strides = array<i32>} : memref<10240xf32, #tpu.memory_space<vmem>>, vector<16xf32>,
      %get3A_169 = arith.index_cast %add3A_166 : i32 to index
      %get3A_170 = tpu.vector_load %arg10[%get3A_169] {strides = array<i32>} : memref<10240xf32, #tpu.memory_space<vmem>>, vector<16xf32>,
      %mul3A_171 = arith.mulf %get3A_168, %get3A_170 : vector<16xf32>
      %swap3A_172 = arith.index_cast %add3A_166 : i32 to index
      %swap3A_173 = tpu.vector_load %arg9[%swap3A_172] {strides = array<i32>} : memref<10240xf32, #tpu.memory_space<vmem>>, vector<16xf32>,
      tpu.vector_store %arg9[%swap3A_172], %mul3A_171 {strides = array<i32>} : memref<10240xf32, #tpu.memory_space<vmem>>, vector<16xf32>,
      %add3A_174 = arith.constant 96 : i32
      %add3A_175 = arith.addi %mul3A_121, %add3A_174 : i32
      %get3A_176 = arith.index_cast %add3A_175 : i32 to index
      %get3A_177 = tpu.vector_load %arg9[%get3A_176] {strides = array<i32>} : memref<10240xf32, #tpu.memory_space<vmem>>, vector<16xf32>,
      %get3A_178 = arith.index_cast %add3A_175 : i32 to index
      %get3A_179 = tpu.vector_load %arg10[%get3A_178] {strides = array<i32>} : memref<10240xf32, #tpu.memory_space<vmem>>, vector<16xf32>,
      %mul3A_180 = arith.mulf %get3A_177, %get3A_179 : vector<16xf32>
      %swap3A_181 = arith.index_cast %add3A_175 : i32 to index
      %swap3A_182 = tpu.vector_load %arg9[%swap3A_181] {strides = array<i32>} : memref<10240xf32, #tpu.memory_space<vmem>>, vector<16xf32>,
      tpu.vector_store %arg9[%swap3A_181], %mul3A_180 {strides = array<i32>} : memref<10240xf32, #tpu.memory_space<vmem>>, vector<16xf32>,
      %add3A_183 = arith.constant 112 : i32
      %add3A_184 = arith.addi %mul3A_121, %add3A_183 : i32
      %get3A_185 = arith.index_cast %add3A_184 : i32 to index
      %get3A_186 = tpu.vector_load %arg9[%get3A_185] {strides = array<i32>} : memref<10240xf32, #tpu.memory_space<vmem>>, vector<16xf32>,
      %get3A_187 = arith.index_cast %add3A_184 : i32 to index
      %get3A_188 = tpu.vector_load %arg10[%get3A_187] {strides = array<i32>} : memref<10240xf32, #tpu.memory_space<vmem>>, vector<16xf32>,
      %mul3A_189 = arith.mulf %get3A_186, %get3A_188 : vector<16xf32>
      %swap3A_190 = arith.index_cast %add3A_184 : i32 to index
      %swap3A_191 = tpu.vector_load %arg9[%swap3A_190] {strides = array<i32>} : memref<10240xf32, #tpu.memory_space<vmem>>, vector<16xf32>,
      tpu.vector_store %arg9[%swap3A_190], %mul3A_189 {strides = array<i32>} : memref<10240xf32, #tpu.memory_space<vmem>>, vector<16xf32>,
      %scan3A_192 = arith.constant 0 : i32
      scf.yield %scan3A_192 : i32
    }
    %scan3A_54 = arith.constant 80 : i32
    %barrier3A_55 = arith.constant 0 : index
    tpu.barrier barrier_id(%barrier3A_55)
    %broadcast_in_dim3A_56 = arith.constant 0.000000e+00 : f32
    %broadcast_in_dim3A_57 = vector.broadcast %broadcast_in_dim3A_56 : f32 to vector<16xf32>
    %scan3A_58 = arith.constant 0 : i32
    %scan3A_59 = arith.constant 0 : i32
    %scan3A_60 = arith.constant 80 : i32
    %scan3A_61 = arith.addi %scan3A_59, %scan3A_60 : i32
    %scan3A_62 = arith.constant 1 : i32
    %scan3A_63 = scf.for %scan3A_118 = %scan3A_59 to %scan3A_61 step %scan3A_62 iter_args(%scan3A_119 = %scan3A_58) -> (i32)  : i32 {
      %mul3A_120 = arith.constant 128 : i32
      %mul3A_121 = arith.muli %scan3A_118, %mul3A_120 : i32
      %add3A_122 = arith.constant 0 : i32
      %add3A_123 = arith.addi %mul3A_121, %add3A_122 : i32
      %swap3A = arith.index_cast %add3A_123 : i32 to index
      %swap3A_124 = tpu.vector_load %arg8[%swap3A] {strides = array<i32>} : memref<10240xf32, #tpu.memory_space<vmem>>, vector<16xf32>,
      tpu.vector_store %arg8[%swap3A], %broadcast_in_dim3A_57 {strides = array<i32>} : memref<10240xf32, #tpu.memory_space<vmem>>, vector<16xf32>,
      %add3A_125 = arith.constant 16 : i32
      %add3A_126 = arith.addi %mul3A_121, %add3A_125 : i32
      %swap3A_127 = arith.index_cast %add3A_126 : i32 to index
      %swap3A_128 = tpu.vector_load %arg8[%swap3A_127] {strides = array<i32>} : memref<10240xf32, #tpu.memory_space<vmem>>, vector<16xf32>,
      tpu.vector_store %arg8[%swap3A_127], %broadcast_in_dim3A_57 {strides = array<i32>} : memref<10240xf32, #tpu.memory_space<vmem>>, vector<16xf32>,
      %add3A_129 = arith.constant 32 : i32
      %add3A_130 = arith.addi %mul3A_121, %add3A_129 : i32
      %swap3A_131 = arith.index_cast %add3A_130 : i32 to index
      %swap3A_132 = tpu.vector_load %arg8[%swap3A_131] {strides = array<i32>} : memref<10240xf32, #tpu.memory_space<vmem>>, vector<16xf32>,
      tpu.vector_store %arg8[%swap3A_131], %broadcast_in_dim3A_57 {strides = array<i32>} : memref<10240xf32, #tpu.memory_space<vmem>>, vector<16xf32>,
      %add3A_133 = arith.constant 48 : i32
      %add3A_134 = arith.addi %mul3A_121, %add3A_133 : i32
      %swap3A_135 = arith.index_cast %add3A_134 : i32 to index
      %swap3A_136 = tpu.vector_load %arg8[%swap3A_135] {strides = array<i32>} : memref<10240xf32, #tpu.memory_space<vmem>>, vector<16xf32>,
      tpu.vector_store %arg8[%swap3A_135], %broadcast_in_dim3A_57 {strides = array<i32>} : memref<10240xf32, #tpu.memory_space<vmem>>, vector<16xf32>,
      %add3A_137 = arith.constant 64 : i32
      %add3A_138 = arith.addi %mul3A_121, %add3A_137 : i32
      %swap3A_139 = arith.index_cast %add3A_138 : i32 to index
      %swap3A_140 = tpu.vector_load %arg8[%swap3A_139] {strides = array<i32>} : memref<10240xf32, #tpu.memory_space<vmem>>, vector<16xf32>,
      tpu.vector_store %arg8[%swap3A_139], %broadcast_in_dim3A_57 {strides = array<i32>} : memref<10240xf32, #tpu.memory_space<vmem>>, vector<16xf32>,
      %add3A_141 = arith.constant 80 : i32
      %add3A_142 = arith.addi %mul3A_121, %add3A_141 : i32
      %swap3A_143 = arith.index_cast %add3A_142 : i32 to index
      %swap3A_144 = tpu.vector_load %arg8[%swap3A_143] {strides = array<i32>} : memref<10240xf32, #tpu.memory_space<vmem>>, vector<16xf32>,
      tpu.vector_store %arg8[%swap3A_143], %broadcast_in_dim3A_57 {strides = array<i32>} : memref<10240xf32, #tpu.memory_space<vmem>>, vector<16xf32>,
      %add3A_145 = arith.constant 96 : i32
      %add3A_146 = arith.addi %mul3A_121, %add3A_145 : i32
      %swap3A_147 = arith.index_cast %add3A_146 : i32 to index
      %swap3A_148 = tpu.vector_load %arg8[%swap3A_147] {strides = array<i32>} : memref<10240xf32, #tpu.memory_space<vmem>>, vector<16xf32>,
      tpu.vector_store %arg8[%swap3A_147], %broadcast_in_dim3A_57 {strides = array<i32>} : memref<10240xf32, #tpu.memory_space<vmem>>, vector<16xf32>,
      %add3A_149 = arith.constant 112 : i32
      %add3A_150 = arith.addi %mul3A_121, %add3A_149 : i32
      %swap3A_151 = arith.index_cast %add3A_150 : i32 to index
      %swap3A_152 = tpu.vector_load %arg8[%swap3A_151] {strides = array<i32>} : memref<10240xf32, #tpu.memory_space<vmem>>, vector<16xf32>,
      tpu.vector_store %arg8[%swap3A_151], %broadcast_in_dim3A_57 {strides = array<i32>} : memref<10240xf32, #tpu.memory_space<vmem>>, vector<16xf32>,
      %scan3A_153 = arith.constant 0 : i32
      scf.yield %scan3A_153 : i32
    }
    %scan3A_64 = arith.constant 80 : i32
    %scan3A_65 = arith.constant 0 : i32
    %scan3A_66 = arith.constant 0 : i32
    %scan3A_67 = arith.constant 125 : i32
    %scan3A_68 = arith.addi %scan3A_66, %scan3A_67 : i32
    %scan3A_69 = arith.constant 1 : i32
    %scan3A_70 = scf.for %scan3A_118 = %scan3A_66 to %scan3A_68 step %scan3A_69 iter_args(%scan3A_119 = %scan3A_65) -> (i32)  : i32 {
      %mul3A_120 = arith.constant 160 : i32
      %mul3A_121 = arith.muli %scan3A_118, %mul3A_120 : i32
      %add3A_122 = arith.constant 0 : i32
      %add3A_123 = arith.addi %mul3A_121, %add3A_122 : i32
      %get3A = arith.index_cast %add3A_123 : i32 to index
      %get3A_124 = tpu.vector_load %arg6[%get3A] {strides = array<i32>} : memref<20000xi32, #tpu.memory_space<vmem>>, vector<16xi32>,
      %add3A_125 = arith.constant 0 : i32
      %add3A_126 = arith.addi %mul3A_121, %add3A_125 : i32
      %get3A_127 = arith.index_cast %add3A_126 : i32 to index
      %get3A_128 = tpu.vector_load %arg7[%get3A_127] {strides = array<i32>} : memref<20000xi32, #tpu.memory_space<vmem>>, vector<16xi32>,
      %gather3A_129 = tpu.vector_load_idx %arg9[%get3A_124] : memref<10240xf32, #tpu.memory_space<vmem>>[vector<16xi32>], vector<16xf32>,
      tpu.vector_store_idx %arg8[%get3A_128], %gather3A_129 {add = true} : memref<10240xf32, #tpu.memory_space<vmem>>[vector<16xi32>], vector<16xf32>,
      %add3A_130 = arith.constant 16 : i32
      %add3A_131 = arith.addi %mul3A_121, %add3A_130 : i32
      %get3A_132 = arith.index_cast %add3A_131 : i32 to index
      %get3A_133 = tpu.vector_load %arg6[%get3A_132] {strides = array<i32>} : memref<20000xi32, #tpu.memory_space<vmem>>, vector<16xi32>,
      %add3A_134 = arith.constant 16 : i32
      %add3A_135 = arith.addi %mul3A_121, %add3A_134 : i32
      %get3A_136 = arith.index_cast %add3A_135 : i32 to index
      %get3A_137 = tpu.vector_load %arg7[%get3A_136] {strides = array<i32>} : memref<20000xi32, #tpu.memory_space<vmem>>, vector<16xi32>,
      %gather3A_138 = tpu.vector_load_idx %arg9[%get3A_133] : memref<10240xf32, #tpu.memory_space<vmem>>[vector<16xi32>], vector<16xf32>,
      tpu.vector_store_idx %arg8[%get3A_137], %gather3A_138 {add = true} : memref<10240xf32, #tpu.memory_space<vmem>>[vector<16xi32>], vector<16xf32>,
      %add3A_139 = arith.constant 32 : i32
      %add3A_140 = arith.addi %mul3A_121, %add3A_139 : i32
      %get3A_141 = arith.index_cast %add3A_140 : i32 to index
      %get3A_142 = tpu.vector_load %arg6[%get3A_141] {strides = array<i32>} : memref<20000xi32, #tpu.memory_space<vmem>>, vector<16xi32>,
      %add3A_143 = arith.constant 32 : i32
      %add3A_144 = arith.addi %mul3A_121, %add3A_143 : i32
      %get3A_145 = arith.index_cast %add3A_144 : i32 to index
      %get3A_146 = tpu.vector_load %arg7[%get3A_145] {strides = array<i32>} : memref<20000xi32, #tpu.memory_space<vmem>>, vector<16xi32>,
      %gather3A_147 = tpu.vector_load_idx %arg9[%get3A_142] : memref<10240xf32, #tpu.memory_space<vmem>>[vector<16xi32>], vector<16xf32>,
      tpu.vector_store_idx %arg8[%get3A_146], %gather3A_147 {add = true} : memref<10240xf32, #tpu.memory_space<vmem>>[vector<16xi32>], vector<16xf32>,
      %add3A_148 = arith.constant 48 : i32
      %add3A_149 = arith.addi %mul3A_121, %add3A_148 : i32
      %get3A_150 = arith.index_cast %add3A_149 : i32 to index
      %get3A_151 = tpu.vector_load %arg6[%get3A_150] {strides = array<i32>} : memref<20000xi32, #tpu.memory_space<vmem>>, vector<16xi32>,
      %add3A_152 = arith.constant 48 : i32
      %add3A_153 = arith.addi %mul3A_121, %add3A_152 : i32
      %get3A_154 = arith.index_cast %add3A_153 : i32 to index
      %get3A_155 = tpu.vector_load %arg7[%get3A_154] {strides = array<i32>} : memref<20000xi32, #tpu.memory_space<vmem>>, vector<16xi32>,
      %gather3A_156 = tpu.vector_load_idx %arg9[%get3A_151] : memref<10240xf32, #tpu.memory_space<vmem>>[vector<16xi32>], vector<16xf32>,
      tpu.vector_store_idx %arg8[%get3A_155], %gather3A_156 {add = true} : memref<10240xf32, #tpu.memory_space<vmem>>[vector<16xi32>], vector<16xf32>,
      %add3A_157 = arith.constant 64 : i32
      %add3A_158 = arith.addi %mul3A_121, %add3A_157 : i32
      %get3A_159 = arith.index_cast %add3A_158 : i32 to index
      %get3A_160 = tpu.vector_load %arg6[%get3A_159] {strides = array<i32>} : memref<20000xi32, #tpu.memory_space<vmem>>, vector<16xi32>,
      %add3A_161 = arith.constant 64 : i32
      %add3A_162 = arith.addi %mul3A_121, %add3A_161 : i32
      %get3A_163 = arith.index_cast %add3A_162 : i32 to index
      %get3A_164 = tpu.vector_load %arg7[%get3A_163] {strides = array<i32>} : memref<20000xi32, #tpu.memory_space<vmem>>, vector<16xi32>,
      %gather3A_165 = tpu.vector_load_idx %arg9[%get3A_160] : memref<10240xf32, #tpu.memory_space<vmem>>[vector<16xi32>], vector<16xf32>,
      tpu.vector_store_idx %arg8[%get3A_164], %gather3A_165 {add = true} : memref<10240xf32, #tpu.memory_space<vmem>>[vector<16xi32>], vector<16xf32>,
      %add3A_166 = arith.constant 80 : i32
      %add3A_167 = arith.addi %mul3A_121, %add3A_166 : i32
      %get3A_168 = arith.index_cast %add3A_167 : i32 to index
      %get3A_169 = tpu.vector_load %arg6[%get3A_168] {strides = array<i32>} : memref<20000xi32, #tpu.memory_space<vmem>>, vector<16xi32>,
      %add3A_170 = arith.constant 80 : i32
      %add3A_171 = arith.addi %mul3A_121, %add3A_170 : i32
      %get3A_172 = arith.index_cast %add3A_171 : i32 to index
      %get3A_173 = tpu.vector_load %arg7[%get3A_172] {strides = array<i32>} : memref<20000xi32, #tpu.memory_space<vmem>>, vector<16xi32>,
      %gather3A_174 = tpu.vector_load_idx %arg9[%get3A_169] : memref<10240xf32, #tpu.memory_space<vmem>>[vector<16xi32>], vector<16xf32>,
      tpu.vector_store_idx %arg8[%get3A_173], %gather3A_174 {add = true} : memref<10240xf32, #tpu.memory_space<vmem>>[vector<16xi32>], vector<16xf32>,
      %add3A_175 = arith.constant 96 : i32
      %add3A_176 = arith.addi %mul3A_121, %add3A_175 : i32
      %get3A_177 = arith.index_cast %add3A_176 : i32 to index
      %get3A_178 = tpu.vector_load %arg6[%get3A_177] {strides = array<i32>} : memref<20000xi32, #tpu.memory_space<vmem>>, vector<16xi32>,
      %add3A_179 = arith.constant 96 : i32
      %add3A_180 = arith.addi %mul3A_121, %add3A_179 : i32
      %get3A_181 = arith.index_cast %add3A_180 : i32 to index
      %get3A_182 = tpu.vector_load %arg7[%get3A_181] {strides = array<i32>} : memref<20000xi32, #tpu.memory_space<vmem>>, vector<16xi32>,
      %gather3A_183 = tpu.vector_load_idx %arg9[%get3A_178] : memref<10240xf32, #tpu.memory_space<vmem>>[vector<16xi32>], vector<16xf32>,
      tpu.vector_store_idx %arg8[%get3A_182], %gather3A_183 {add = true} : memref<10240xf32, #tpu.memory_space<vmem>>[vector<16xi32>], vector<16xf32>,
      %add3A_184 = arith.constant 112 : i32
      %add3A_185 = arith.addi %mul3A_121, %add3A_184 : i32
      %get3A_186 = arith.index_cast %add3A_185 : i32 to index
      %get3A_187 = tpu.vector_load %arg6[%get3A_186] {strides = array<i32>} : memref<20000xi32, #tpu.memory_space<vmem>>, vector<16xi32>,
      %add3A_188 = arith.constant 112 : i32
      %add3A_189 = arith.addi %mul3A_121, %add3A_188 : i32
      %get3A_190 = arith.index_cast %add3A_189 : i32 to index
      %get3A_191 = tpu.vector_load %arg7[%get3A_190] {strides = array<i32>} : memref<20000xi32, #tpu.memory_space<vmem>>, vector<16xi32>,
      %gather3A_192 = tpu.vector_load_idx %arg9[%get3A_187] : memref<10240xf32, #tpu.memory_space<vmem>>[vector<16xi32>], vector<16xf32>,
      tpu.vector_store_idx %arg8[%get3A_191], %gather3A_192 {add = true} : memref<10240xf32, #tpu.memory_space<vmem>>[vector<16xi32>], vector<16xf32>,
      %add3A_193 = arith.constant 128 : i32
      %add3A_194 = arith.addi %mul3A_121, %add3A_193 : i32
      %get3A_195 = arith.index_cast %add3A_194 : i32 to index
      %get3A_196 = tpu.vector_load %arg6[%get3A_195] {strides = array<i32>} : memref<20000xi32, #tpu.memory_space<vmem>>, vector<16xi32>,
      %add3A_197 = arith.constant 128 : i32
      %add3A_198 = arith.addi %mul3A_121, %add3A_197 : i32
      %get3A_199 = arith.index_cast %add3A_198 : i32 to index
      %get3A_200 = tpu.vector_load %arg7[%get3A_199] {strides = array<i32>} : memref<20000xi32, #tpu.memory_space<vmem>>, vector<16xi32>,
      %gather3A_201 = tpu.vector_load_idx %arg9[%get3A_196] : memref<10240xf32, #tpu.memory_space<vmem>>[vector<16xi32>], vector<16xf32>,
      tpu.vector_store_idx %arg8[%get3A_200], %gather3A_201 {add = true} : memref<10240xf32, #tpu.memory_space<vmem>>[vector<16xi32>], vector<16xf32>,
      %add3A_202 = arith.constant 144 : i32
      %add3A_203 = arith.addi %mul3A_121, %add3A_202 : i32
      %get3A_204 = arith.index_cast %add3A_203 : i32 to index
      %get3A_205 = tpu.vector_load %arg6[%get3A_204] {strides = array<i32>} : memref<20000xi32, #tpu.memory_space<vmem>>, vector<16xi32>,
      %add3A_206 = arith.constant 144 : i32
      %add3A_207 = arith.addi %mul3A_121, %add3A_206 : i32
      %get3A_208 = arith.index_cast %add3A_207 : i32 to index
      %get3A_209 = tpu.vector_load %arg7[%get3A_208] {strides = array<i32>} : memref<20000xi32, #tpu.memory_space<vmem>>, vector<16xi32>,
      %gather3A_210 = tpu.vector_load_idx %arg9[%get3A_205] : memref<10240xf32, #tpu.memory_space<vmem>>[vector<16xi32>], vector<16xf32>,
      tpu.vector_store_idx %arg8[%get3A_209], %gather3A_210 {add = true} : memref<10240xf32, #tpu.memory_space<vmem>>[vector<16xi32>], vector<16xf32>,
      %scan3A_211 = arith.constant 0 : i32
      scf.yield %scan3A_211 : i32
    }
    %scan3A_71 = arith.constant 125 : i32
    "tpu.region"() ({
      %run_scoped3A_118 = tpu.sem_alloc : memref<!tpu.dma_semaphore, #tpu.memory_space<semaphore_mem>>
      %dma_start3A_119 = arith.constant 0 : i32
      %dma_start3A_120 = tpu.memref_slice %arg13[%arg1, %dma_start3A_119] : memref<16x10240xf32, #tpu.memory_space<vmem_shared>> -> memref<1x10240xf32, #tpu.memory_space<vmem_shared>>
      %dma_start3A_121 = tpu.memref_squeeze %dma_start3A_120 : memref<1x10240xf32, #tpu.memory_space<vmem_shared>> -> memref<10240xf32, #tpu.memory_space<vmem_shared>>
      %dma_start3A_122 = arith.constant 0 : i32
      %dma_start3A_123 = tpu.memref_slice %arg13[%arg1, %dma_start3A_122] : memref<16x10240xf32, #tpu.memory_space<vmem_shared>> -> memref<1x10240xf32, #tpu.memory_space<vmem_shared>>
      %dma_start3A_124 = tpu.memref_squeeze %dma_start3A_123 : memref<1x10240xf32, #tpu.memory_space<vmem_shared>> -> memref<10240xf32, #tpu.memory_space<vmem_shared>>
      tpu.enqueue_dma source(%arg8 : memref<10240xf32, #tpu.memory_space<vmem>>) target(%dma_start3A_124 : memref<10240xf32, #tpu.memory_space<vmem_shared>>) target_semaphore(%run_scoped3A_118 : memref<!tpu.dma_semaphore, #tpu.memory_space<semaphore_mem>>)
      %dma_wait3A_125 = arith.constant 0 : i32
      %dma_wait3A_126 = tpu.memref_slice %arg13[%arg1, %dma_wait3A_125] : memref<16x10240xf32, #tpu.memory_space<vmem_shared>> -> memref<1x10240xf32, #tpu.memory_space<vmem_shared>>
      %dma_wait3A_127 = tpu.memref_squeeze %dma_wait3A_126 : memref<1x10240xf32, #tpu.memory_space<vmem_shared>> -> memref<10240xf32, #tpu.memory_space<vmem_shared>>
      %dma_wait3A_128 = arith.constant 0 : i32
      %dma_wait3A_129 = tpu.memref_slice %arg13[%arg1, %dma_wait3A_128] : memref<16x10240xf32, #tpu.memory_space<vmem_shared>> -> memref<1x10240xf32, #tpu.memory_space<vmem_shared>>
      %dma_wait3A_130 = tpu.memref_squeeze %dma_wait3A_129 : memref<1x10240xf32, #tpu.memory_space<vmem_shared>> -> memref<10240xf32, #tpu.memory_space<vmem_shared>>
      tpu.wait_dma2 semaphore(%run_scoped3A_118 : memref<!tpu.dma_semaphore, #tpu.memory_space<semaphore_mem>>) src(%arg8 : memref<10240xf32, #tpu.memory_space<vmem>>) dst(%dma_wait3A_130 : memref<10240xf32, #tpu.memory_space<vmem_shared>>)
      tpu.yield
    }) : () -> ()
    %barrier3A_72 = arith.constant 0 : index
    tpu.barrier barrier_id(%barrier3A_72)
    "tpu.region"() ({
      %run_scoped3A_118 = tpu.sem_alloc : memref<!tpu.dma_semaphore, #tpu.memory_space<semaphore_mem>>
      %dma_start3A_119 = arith.constant 0 : i32
      %dma_start3A_120 = tpu.memref_slice %arg13[%dma_start3A_119, %mul3A_0] : memref<16x10240xf32, #tpu.memory_space<vmem_shared>> -> memref<16x640xf32, #tpu.memory_space<vmem_shared>>
      %dma_start3A_121 = arith.constant 0 : i32
      %dma_start3A_122 = tpu.memref_slice %arg13[%dma_start3A_121, %mul3A_0] : memref<16x10240xf32, #tpu.memory_space<vmem_shared>> -> memref<16x640xf32, #tpu.memory_space<vmem_shared>>
      tpu.enqueue_dma source(%dma_start3A_122 : memref<16x640xf32, #tpu.memory_space<vmem_shared>>) target(%arg11 : memref<16x640xf32, #tpu.memory_space<vmem>>) target_semaphore(%run_scoped3A_118 : memref<!tpu.dma_semaphore, #tpu.memory_space<semaphore_mem>>)
      %dma_wait3A_123 = arith.constant 0 : i32
      %dma_wait3A_124 = tpu.memref_slice %arg13[%dma_wait3A_123, %mul3A_0] : memref<16x10240xf32, #tpu.memory_space<vmem_shared>> -> memref<16x640xf32, #tpu.memory_space<vmem_shared>>
      %dma_wait3A_125 = arith.constant 0 : i32
      %dma_wait3A_126 = tpu.memref_slice %arg13[%dma_wait3A_125, %mul3A_0] : memref<16x10240xf32, #tpu.memory_space<vmem_shared>> -> memref<16x640xf32, #tpu.memory_space<vmem_shared>>
      tpu.wait_dma2 semaphore(%run_scoped3A_118 : memref<!tpu.dma_semaphore, #tpu.memory_space<semaphore_mem>>) src(%dma_wait3A_126 : memref<16x640xf32, #tpu.memory_space<vmem_shared>>) dst(%arg11 : memref<16x640xf32, #tpu.memory_space<vmem>>)
      tpu.yield
    }) : () -> ()
    %broadcast_in_dim3A_73 = arith.constant 0 : i32
    %broadcast_in_dim3A_74 = vector.broadcast %broadcast_in_dim3A_73 : i32 to vector<16xi32>
    %add3A_75 = arith.constant 10000 : i32
    %add3A_76 = vector.broadcast %add3A_75 : i32 to vector<16xi32>
    %add3A_77 = arith.addi %broadcast_in_dim3A_74, %add3A_76 : vector<16xi32>
    %gather3A = tpu.vector_load_idx %arg9[%add3A_77] : memref<10240xf32, #tpu.memory_space<vmem>>[vector<16xi32>], vector<16xf32>,
    %scan3A_78 = arith.constant 0 : i32
    %scan3A_79 = arith.constant 0 : i32
    %scan3A_80 = arith.constant 40 : i32
    %scan3A_81 = arith.addi %scan3A_79, %scan3A_80 : i32
    %scan3A_82 = arith.constant 1 : i32
    %scan3A_83 = scf.for %scan3A_118 = %scan3A_79 to %scan3A_81 step %scan3A_82 iter_args(%scan3A_119 = %scan3A_78) -> (i32)  : i32 {
      %mul3A_120 = arith.constant 16 : i32
      %mul3A_121 = arith.muli %scan3A_118, %mul3A_120 : i32
      %add3A_122 = arith.addi %mul3A_0, %mul3A_121 : i32
      %get3A = arith.index_cast %add3A_122 : i32 to index
      %get3A_123 = tpu.vector_load %arg10[%get3A] {strides = array<i32>} : memref<10240xf32, #tpu.memory_space<vmem>>, vector<16xf32>,
      %mul3A_124 = arith.constant 16 : i32
      %mul3A_125 = arith.muli %scan3A_118, %mul3A_124 : i32
      %get3A_126 = arith.constant 0 : i32
      %get3A_127 = arith.index_cast %get3A_126 : i32 to index
      %get3A_128 = arith.index_cast %mul3A_125 : i32 to index
      %get3A_129 = tpu.vector_load %arg11[%get3A_127, %get3A_128] {strides = array<i32>} : memref<16x640xf32, #tpu.memory_space<vmem>>, vector<16xf32>,
      %mul3A_130 = arith.constant 16 : i32
      %mul3A_131 = arith.muli %scan3A_118, %mul3A_130 : i32
      %get3A_132 = arith.constant 1 : i32
      %get3A_133 = arith.index_cast %get3A_132 : i32 to index
      %get3A_134 = arith.index_cast %mul3A_131 : i32 to index
      %get3A_135 = tpu.vector_load %arg11[%get3A_133, %get3A_134] {strides = array<i32>} : memref<16x640xf32, #tpu.memory_space<vmem>>, vector<16xf32>,
      %add3A_136 = arith.addf %get3A_129, %get3A_135 : vector<16xf32>
      %mul3A_137 = arith.constant 16 : i32
      %mul3A_138 = arith.muli %scan3A_118, %mul3A_137 : i32
      %get3A_139 = arith.constant 2 : i32
      %get3A_140 = arith.index_cast %get3A_139 : i32 to index
      %get3A_141 = arith.index_cast %mul3A_138 : i32 to index
      %get3A_142 = tpu.vector_load %arg11[%get3A_140, %get3A_141] {strides = array<i32>} : memref<16x640xf32, #tpu.memory_space<vmem>>, vector<16xf32>,
      %add3A_143 = arith.addf %add3A_136, %get3A_142 : vector<16xf32>
      %mul3A_144 = arith.constant 16 : i32
      %mul3A_145 = arith.muli %scan3A_118, %mul3A_144 : i32
      %get3A_146 = arith.constant 3 : i32
      %get3A_147 = arith.index_cast %get3A_146 : i32 to index
      %get3A_148 = arith.index_cast %mul3A_145 : i32 to index
      %get3A_149 = tpu.vector_load %arg11[%get3A_147, %get3A_148] {strides = array<i32>} : memref<16x640xf32, #tpu.memory_space<vmem>>, vector<16xf32>,
      %add3A_150 = arith.addf %add3A_143, %get3A_149 : vector<16xf32>
      %mul3A_151 = arith.constant 16 : i32
      %mul3A_152 = arith.muli %scan3A_118, %mul3A_151 : i32
      %get3A_153 = arith.constant 4 : i32
      %get3A_154 = arith.index_cast %get3A_153 : i32 to index
      %get3A_155 = arith.index_cast %mul3A_152 : i32 to index
      %get3A_156 = tpu.vector_load %arg11[%get3A_154, %get3A_155] {strides = array<i32>} : memref<16x640xf32, #tpu.memory_space<vmem>>, vector<16xf32>,
      %add3A_157 = arith.addf %add3A_150, %get3A_156 : vector<16xf32>
      %mul3A_158 = arith.constant 16 : i32
      %mul3A_159 = arith.muli %scan3A_118, %mul3A_158 : i32
      %get3A_160 = arith.constant 5 : i32
      %get3A_161 = arith.index_cast %get3A_160 : i32 to index
      %get3A_162 = arith.index_cast %mul3A_159 : i32 to index
      %get3A_163 = tpu.vector_load %arg11[%get3A_161, %get3A_162] {strides = array<i32>} : memref<16x640xf32, #tpu.memory_space<vmem>>, vector<16xf32>,
      %add3A_164 = arith.addf %add3A_157, %get3A_163 : vector<16xf32>
      %mul3A_165 = arith.constant 16 : i32
      %mul3A_166 = arith.muli %scan3A_118, %mul3A_165 : i32
      %get3A_167 = arith.constant 6 : i32
      %get3A_168 = arith.index_cast %get3A_167 : i32 to index
      %get3A_169 = arith.index_cast %mul3A_166 : i32 to index
      %get3A_170 = tpu.vector_load %arg11[%get3A_168, %get3A_169] {strides = array<i32>} : memref<16x640xf32, #tpu.memory_space<vmem>>, vector<16xf32>,
      %add3A_171 = arith.addf %add3A_164, %get3A_170 : vector<16xf32>
      %mul3A_172 = arith.constant 16 : i32
      %mul3A_173 = arith.muli %scan3A_118, %mul3A_172 : i32
      %get3A_174 = arith.constant 7 : i32
      %get3A_175 = arith.index_cast %get3A_174 : i32 to index
      %get3A_176 = arith.index_cast %mul3A_173 : i32 to index
      %get3A_177 = tpu.vector_load %arg11[%get3A_175, %get3A_176] {strides = array<i32>} : memref<16x640xf32, #tpu.memory_space<vmem>>, vector<16xf32>,
      %add3A_178 = arith.addf %add3A_171, %get3A_177 : vector<16xf32>
      %mul3A_179 = arith.constant 16 : i32
      %mul3A_180 = arith.muli %scan3A_118, %mul3A_179 : i32
      %get3A_181 = arith.constant 8 : i32
      %get3A_182 = arith.index_cast %get3A_181 : i32 to index
      %get3A_183 = arith.index_cast %mul3A_180 : i32 to index
      %get3A_184 = tpu.vector_load %arg11[%get3A_182, %get3A_183] {strides = array<i32>} : memref<16x640xf32, #tpu.memory_space<vmem>>, vector<16xf32>,
      %add3A_185 = arith.addf %add3A_178, %get3A_184 : vector<16xf32>
      %mul3A_186 = arith.constant 16 : i32
      %mul3A_187 = arith.muli %scan3A_118, %mul3A_186 : i32
      %get3A_188 = arith.constant 9 : i32
      %get3A_189 = arith.index_cast %get3A_188 : i32 to index
      %get3A_190 = arith.index_cast %mul3A_187 : i32 to index
      %get3A_191 = tpu.vector_load %arg11[%get3A_189, %get3A_190] {strides = array<i32>} : memref<16x640xf32, #tpu.memory_space<vmem>>, vector<16xf32>,
      %add3A_192 = arith.addf %add3A_185, %get3A_191 : vector<16xf32>
      %mul3A_193 = arith.constant 16 : i32
      %mul3A_194 = arith.muli %scan3A_118, %mul3A_193 : i32
      %get3A_195 = arith.constant 10 : i32
      %get3A_196 = arith.index_cast %get3A_195 : i32 to index
      %get3A_197 = arith.index_cast %mul3A_194 : i32 to index
      %get3A_198 = tpu.vector_load %arg11[%get3A_196, %get3A_197] {strides = array<i32>} : memref<16x640xf32, #tpu.memory_space<vmem>>, vector<16xf32>,
      %add3A_199 = arith.addf %add3A_192, %get3A_198 : vector<16xf32>
      %mul3A_200 = arith.constant 16 : i32
      %mul3A_201 = arith.muli %scan3A_118, %mul3A_200 : i32
      %get3A_202 = arith.constant 11 : i32
      %get3A_203 = arith.index_cast %get3A_202 : i32 to index
      %get3A_204 = arith.index_cast %mul3A_201 : i32 to index
      %get3A_205 = tpu.vector_load %arg11[%get3A_203, %get3A_204] {strides = array<i32>} : memref<16x640xf32, #tpu.memory_space<vmem>>, vector<16xf32>,
      %add3A_206 = arith.addf %add3A_199, %get3A_205 : vector<16xf32>
      %mul3A_207 = arith.constant 16 : i32
      %mul3A_208 = arith.muli %scan3A_118, %mul3A_207 : i32
      %get3A_209 = arith.constant 12 : i32
      %get3A_210 = arith.index_cast %get3A_209 : i32 to index
      %get3A_211 = arith.index_cast %mul3A_208 : i32 to index
      %get3A_212 = tpu.vector_load %arg11[%get3A_210, %get3A_211] {strides = array<i32>} : memref<16x640xf32, #tpu.memory_space<vmem>>, vector<16xf32>,
      %add3A_213 = arith.addf %add3A_206, %get3A_212 : vector<16xf32>
      %mul3A_214 = arith.constant 16 : i32
      %mul3A_215 = arith.muli %scan3A_118, %mul3A_214 : i32
      %get3A_216 = arith.constant 13 : i32
      %get3A_217 = arith.index_cast %get3A_216 : i32 to index
      %get3A_218 = arith.index_cast %mul3A_215 : i32 to index
      %get3A_219 = tpu.vector_load %arg11[%get3A_217, %get3A_218] {strides = array<i32>} : memref<16x640xf32, #tpu.memory_space<vmem>>, vector<16xf32>,
      %add3A_220 = arith.addf %add3A_213, %get3A_219 : vector<16xf32>
      %mul3A_221 = arith.constant 16 : i32
      %mul3A_222 = arith.muli %scan3A_118, %mul3A_221 : i32
      %get3A_223 = arith.constant 14 : i32
      %get3A_224 = arith.index_cast %get3A_223 : i32 to index
      %get3A_225 = arith.index_cast %mul3A_222 : i32 to index
      %get3A_226 = tpu.vector_load %arg11[%get3A_224, %get3A_225] {strides = array<i32>} : memref<16x640xf32, #tpu.memory_space<vmem>>, vector<16xf32>,
      %add3A_227 = arith.addf %add3A_220, %get3A_226 : vector<16xf32>
      %mul3A_228 = arith.constant 16 : i32
      %mul3A_229 = arith.muli %scan3A_118, %mul3A_228 : i32
      %get3A_230 = arith.constant 15 : i32
      %get3A_231 = arith.index_cast %get3A_230 : i32 to index
      %get3A_232 = arith.index_cast %mul3A_229 : i32 to index
      %get3A_233 = tpu.vector_load %arg11[%get3A_231, %get3A_232] {strides = array<i32>} : memref<16x640xf32, #tpu.memory_space<vmem>>, vector<16xf32>,
      %add3A_234 = arith.addf %add3A_227, %get3A_233 : vector<16xf32>
      %get3A_235 = arith.index_cast %add3A_122 : i32 to index
      %get3A_236 = tpu.vector_load %arg9[%get3A_235] {strides = array<i32>} : memref<10240xf32, #tpu.memory_space<vmem>>, vector<16xf32>,
      %add3A_237 = arith.addf %add3A_234, %get3A_236 : vector<16xf32>
      %mul3A_238 = arith.mulf %get3A_123, %add3A_237 : vector<16xf32>
      %add3A_239 = arith.addf %mul3A_238, %gather3A : vector<16xf32>
      %mul3A_240 = arith.mulf %get3A_123, %add3A_239 : vector<16xf32>
      %mul3A_241 = arith.constant 16 : i32
      %mul3A_242 = arith.muli %scan3A_118, %mul3A_241 : i32
      %swap3A = arith.constant 0 : i32
      %swap3A_243 = arith.index_cast %swap3A : i32 to index
      %swap3A_244 = arith.index_cast %mul3A_242 : i32 to index
      %swap3A_245 = tpu.vector_load %arg11[%swap3A_243, %swap3A_244] {strides = array<i32>} : memref<16x640xf32, #tpu.memory_space<vmem>>, vector<16xf32>,
      tpu.vector_store %arg11[%swap3A_243, %swap3A_244], %mul3A_240 {strides = array<i32>} : memref<16x640xf32, #tpu.memory_space<vmem>>, vector<16xf32>,
      %scan3A_246 = arith.constant 0 : i32
      scf.yield %scan3A_246 : i32
    }
    %scan3A_84 = arith.constant 40 : i32
    %run_scoped3A_85 = arith.constant 0 : i32
    "tpu.region"() ({
      %run_scoped3A_118 = tpu.sem_alloc : memref<!tpu.dma_semaphore, #tpu.memory_space<semaphore_mem>>
      %dma_start3A_119 = arith.constant 0 : i32
      %dma_start3A_120 = tpu.memref_slice %arg11[%run_scoped3A_85, %dma_start3A_119] : memref<16x640xf32, #tpu.memory_space<vmem>> -> memref<1x640xf32, #tpu.memory_space<vmem>>
      %dma_start3A_121 = tpu.memref_squeeze %dma_start3A_120 : memref<1x640xf32, #tpu.memory_space<vmem>> -> memref<640xf32, #tpu.memory_space<vmem>>
      %dma_start3A_122 = tpu.memref_slice %arg14[%mul3A_0] : memref<10240xf32, #tpu.memory_space<vmem_shared>> -> memref<640xf32, #tpu.memory_space<vmem_shared>>
      %dma_start3A_123 = tpu.memref_slice %arg14[%mul3A_0] : memref<10240xf32, #tpu.memory_space<vmem_shared>> -> memref<640xf32, #tpu.memory_space<vmem_shared>>
      %dma_start3A_124 = arith.constant 0 : i32
      %dma_start3A_125 = tpu.memref_slice %arg11[%run_scoped3A_85, %dma_start3A_124] : memref<16x640xf32, #tpu.memory_space<vmem>> -> memref<1x640xf32, #tpu.memory_space<vmem>>
      %dma_start3A_126 = tpu.memref_squeeze %dma_start3A_125 : memref<1x640xf32, #tpu.memory_space<vmem>> -> memref<640xf32, #tpu.memory_space<vmem>>
      tpu.enqueue_dma source(%dma_start3A_126 : memref<640xf32, #tpu.memory_space<vmem>>) target(%dma_start3A_123 : memref<640xf32, #tpu.memory_space<vmem_shared>>) target_semaphore(%run_scoped3A_118 : memref<!tpu.dma_semaphore, #tpu.memory_space<semaphore_mem>>)
      %dma_wait3A_127 = arith.constant 0 : i32
      %dma_wait3A_128 = tpu.memref_slice %arg11[%run_scoped3A_85, %dma_wait3A_127] : memref<16x640xf32, #tpu.memory_space<vmem>> -> memref<1x640xf32, #tpu.memory_space<vmem>>
      %dma_wait3A_129 = tpu.memref_squeeze %dma_wait3A_128 : memref<1x640xf32, #tpu.memory_space<vmem>> -> memref<640xf32, #tpu.memory_space<vmem>>
      %dma_wait3A_130 = tpu.memref_slice %arg14[%mul3A_0] : memref<10240xf32, #tpu.memory_space<vmem_shared>> -> memref<640xf32, #tpu.memory_space<vmem_shared>>
      %dma_wait3A_131 = tpu.memref_slice %arg14[%mul3A_0] : memref<10240xf32, #tpu.memory_space<vmem_shared>> -> memref<640xf32, #tpu.memory_space<vmem_shared>>
      %dma_wait3A_132 = arith.constant 0 : i32
      %dma_wait3A_133 = tpu.memref_slice %arg11[%run_scoped3A_85, %dma_wait3A_132] : memref<16x640xf32, #tpu.memory_space<vmem>> -> memref<1x640xf32, #tpu.memory_space<vmem>>
      %dma_wait3A_134 = tpu.memref_squeeze %dma_wait3A_133 : memref<1x640xf32, #tpu.memory_space<vmem>> -> memref<640xf32, #tpu.memory_space<vmem>>
      tpu.wait_dma2 semaphore(%run_scoped3A_118 : memref<!tpu.dma_semaphore, #tpu.memory_space<semaphore_mem>>) src(%dma_wait3A_134 : memref<640xf32, #tpu.memory_space<vmem>>) dst(%dma_wait3A_131 : memref<640xf32, #tpu.memory_space<vmem_shared>>)
      tpu.yield
    }) : () -> ()
    %barrier3A_86 = arith.constant 0 : index
    tpu.barrier barrier_id(%barrier3A_86)
    "tpu.region"() ({
      %run_scoped3A_118 = tpu.sem_alloc : memref<!tpu.dma_semaphore, #tpu.memory_space<semaphore_mem>>
      tpu.enqueue_dma source(%arg14 : memref<10240xf32, #tpu.memory_space<vmem_shared>>) target(%arg9 : memref<10240xf32, #tpu.memory_space<vmem>>) target_semaphore(%run_scoped3A_118 : memref<!tpu.dma_semaphore, #tpu.memory_space<semaphore_mem>>)
      tpu.wait_dma2 semaphore(%run_scoped3A_118 : memref<!tpu.dma_semaphore, #tpu.memory_space<semaphore_mem>>) src(%arg14 : memref<10240xf32, #tpu.memory_space<vmem_shared>>) dst(%arg9 : memref<10240xf32, #tpu.memory_space<vmem>>)
      tpu.yield
    }) : () -> ()
    %barrier3A_87 = arith.constant 0 : index
    tpu.barrier barrier_id(%barrier3A_87)
    %broadcast_in_dim3A_88 = arith.constant 0.000000e+00 : f32
    %broadcast_in_dim3A_89 = vector.broadcast %broadcast_in_dim3A_88 : f32 to vector<16xf32>
    %scan3A_90 = arith.constant 0 : i32
    %scan3A_91 = arith.constant 0 : i32
    %scan3A_92 = arith.constant 80 : i32
    %scan3A_93 = arith.addi %scan3A_91, %scan3A_92 : i32
    %scan3A_94 = arith.constant 1 : i32
    %scan3A_95 = scf.for %scan3A_118 = %scan3A_91 to %scan3A_93 step %scan3A_94 iter_args(%scan3A_119 = %scan3A_90) -> (i32)  : i32 {
      %mul3A_120 = arith.constant 128 : i32
      %mul3A_121 = arith.muli %scan3A_118, %mul3A_120 : i32
      %add3A_122 = arith.constant 0 : i32
      %add3A_123 = arith.addi %mul3A_121, %add3A_122 : i32
      %swap3A = arith.index_cast %add3A_123 : i32 to index
      %swap3A_124 = tpu.vector_load %arg8[%swap3A] {strides = array<i32>} : memref<10240xf32, #tpu.memory_space<vmem>>, vector<16xf32>,
      tpu.vector_store %arg8[%swap3A], %broadcast_in_dim3A_89 {strides = array<i32>} : memref<10240xf32, #tpu.memory_space<vmem>>, vector<16xf32>,
      %add3A_125 = arith.constant 16 : i32
      %add3A_126 = arith.addi %mul3A_121, %add3A_125 : i32
      %swap3A_127 = arith.index_cast %add3A_126 : i32 to index
      %swap3A_128 = tpu.vector_load %arg8[%swap3A_127] {strides = array<i32>} : memref<10240xf32, #tpu.memory_space<vmem>>, vector<16xf32>,
      tpu.vector_store %arg8[%swap3A_127], %broadcast_in_dim3A_89 {strides = array<i32>} : memref<10240xf32, #tpu.memory_space<vmem>>, vector<16xf32>,
      %add3A_129 = arith.constant 32 : i32
      %add3A_130 = arith.addi %mul3A_121, %add3A_129 : i32
      %swap3A_131 = arith.index_cast %add3A_130 : i32 to index
      %swap3A_132 = tpu.vector_load %arg8[%swap3A_131] {strides = array<i32>} : memref<10240xf32, #tpu.memory_space<vmem>>, vector<16xf32>,
      tpu.vector_store %arg8[%swap3A_131], %broadcast_in_dim3A_89 {strides = array<i32>} : memref<10240xf32, #tpu.memory_space<vmem>>, vector<16xf32>,
      %add3A_133 = arith.constant 48 : i32
      %add3A_134 = arith.addi %mul3A_121, %add3A_133 : i32
      %swap3A_135 = arith.index_cast %add3A_134 : i32 to index
      %swap3A_136 = tpu.vector_load %arg8[%swap3A_135] {strides = array<i32>} : memref<10240xf32, #tpu.memory_space<vmem>>, vector<16xf32>,
      tpu.vector_store %arg8[%swap3A_135], %broadcast_in_dim3A_89 {strides = array<i32>} : memref<10240xf32, #tpu.memory_space<vmem>>, vector<16xf32>,
      %add3A_137 = arith.constant 64 : i32
      %add3A_138 = arith.addi %mul3A_121, %add3A_137 : i32
      %swap3A_139 = arith.index_cast %add3A_138 : i32 to index
      %swap3A_140 = tpu.vector_load %arg8[%swap3A_139] {strides = array<i32>} : memref<10240xf32, #tpu.memory_space<vmem>>, vector<16xf32>,
      tpu.vector_store %arg8[%swap3A_139], %broadcast_in_dim3A_89 {strides = array<i32>} : memref<10240xf32, #tpu.memory_space<vmem>>, vector<16xf32>,
      %add3A_141 = arith.constant 80 : i32
      %add3A_142 = arith.addi %mul3A_121, %add3A_141 : i32
      %swap3A_143 = arith.index_cast %add3A_142 : i32 to index
      %swap3A_144 = tpu.vector_load %arg8[%swap3A_143] {strides = array<i32>} : memref<10240xf32, #tpu.memory_space<vmem>>, vector<16xf32>,
      tpu.vector_store %arg8[%swap3A_143], %broadcast_in_dim3A_89 {strides = array<i32>} : memref<10240xf32, #tpu.memory_space<vmem>>, vector<16xf32>,
      %add3A_145 = arith.constant 96 : i32
      %add3A_146 = arith.addi %mul3A_121, %add3A_145 : i32
      %swap3A_147 = arith.index_cast %add3A_146 : i32 to index
      %swap3A_148 = tpu.vector_load %arg8[%swap3A_147] {strides = array<i32>} : memref<10240xf32, #tpu.memory_space<vmem>>, vector<16xf32>,
      tpu.vector_store %arg8[%swap3A_147], %broadcast_in_dim3A_89 {strides = array<i32>} : memref<10240xf32, #tpu.memory_space<vmem>>, vector<16xf32>,
      %add3A_149 = arith.constant 112 : i32
      %add3A_150 = arith.addi %mul3A_121, %add3A_149 : i32
      %swap3A_151 = arith.index_cast %add3A_150 : i32 to index
      %swap3A_152 = tpu.vector_load %arg8[%swap3A_151] {strides = array<i32>} : memref<10240xf32, #tpu.memory_space<vmem>>, vector<16xf32>,
      tpu.vector_store %arg8[%swap3A_151], %broadcast_in_dim3A_89 {strides = array<i32>} : memref<10240xf32, #tpu.memory_space<vmem>>, vector<16xf32>,
      %scan3A_153 = arith.constant 0 : i32
      scf.yield %scan3A_153 : i32
    }
    %scan3A_96 = arith.constant 80 : i32
    %scan3A_97 = arith.constant 0 : i32
    %scan3A_98 = arith.constant 0 : i32
    %scan3A_99 = arith.constant 125 : i32
    %scan3A_100 = arith.addi %scan3A_98, %scan3A_99 : i32
    %scan3A_101 = arith.constant 1 : i32
    %scan3A_102 = scf.for %scan3A_118 = %scan3A_98 to %scan3A_100 step %scan3A_101 iter_args(%scan3A_119 = %scan3A_97) -> (i32)  : i32 {
      %mul3A_120 = arith.constant 160 : i32
      %mul3A_121 = arith.muli %scan3A_118, %mul3A_120 : i32
      %add3A_122 = arith.constant 0 : i32
      %add3A_123 = arith.addi %mul3A_121, %add3A_122 : i32
      %get3A = arith.index_cast %add3A_123 : i32 to index
      %get3A_124 = tpu.vector_load %arg6[%get3A] {strides = array<i32>} : memref<20000xi32, #tpu.memory_space<vmem>>, vector<16xi32>,
      %add3A_125 = arith.constant 0 : i32
      %add3A_126 = arith.addi %mul3A_121, %add3A_125 : i32
      %get3A_127 = arith.index_cast %add3A_126 : i32 to index
      %get3A_128 = tpu.vector_load %arg7[%get3A_127] {strides = array<i32>} : memref<20000xi32, #tpu.memory_space<vmem>>, vector<16xi32>,
      %gather3A_129 = tpu.vector_load_idx %arg9[%get3A_124] : memref<10240xf32, #tpu.memory_space<vmem>>[vector<16xi32>], vector<16xf32>,
      tpu.vector_store_idx %arg8[%get3A_128], %gather3A_129 {add = true} : memref<10240xf32, #tpu.memory_space<vmem>>[vector<16xi32>], vector<16xf32>,
      %add3A_130 = arith.constant 16 : i32
      %add3A_131 = arith.addi %mul3A_121, %add3A_130 : i32
      %get3A_132 = arith.index_cast %add3A_131 : i32 to index
      %get3A_133 = tpu.vector_load %arg6[%get3A_132] {strides = array<i32>} : memref<20000xi32, #tpu.memory_space<vmem>>, vector<16xi32>,
      %add3A_134 = arith.constant 16 : i32
      %add3A_135 = arith.addi %mul3A_121, %add3A_134 : i32
      %get3A_136 = arith.index_cast %add3A_135 : i32 to index
      %get3A_137 = tpu.vector_load %arg7[%get3A_136] {strides = array<i32>} : memref<20000xi32, #tpu.memory_space<vmem>>, vector<16xi32>,
      %gather3A_138 = tpu.vector_load_idx %arg9[%get3A_133] : memref<10240xf32, #tpu.memory_space<vmem>>[vector<16xi32>], vector<16xf32>,
      tpu.vector_store_idx %arg8[%get3A_137], %gather3A_138 {add = true} : memref<10240xf32, #tpu.memory_space<vmem>>[vector<16xi32>], vector<16xf32>,
      %add3A_139 = arith.constant 32 : i32
      %add3A_140 = arith.addi %mul3A_121, %add3A_139 : i32
      %get3A_141 = arith.index_cast %add3A_140 : i32 to index
      %get3A_142 = tpu.vector_load %arg6[%get3A_141] {strides = array<i32>} : memref<20000xi32, #tpu.memory_space<vmem>>, vector<16xi32>,
      %add3A_143 = arith.constant 32 : i32
      %add3A_144 = arith.addi %mul3A_121, %add3A_143 : i32
      %get3A_145 = arith.index_cast %add3A_144 : i32 to index
      %get3A_146 = tpu.vector_load %arg7[%get3A_145] {strides = array<i32>} : memref<20000xi32, #tpu.memory_space<vmem>>, vector<16xi32>,
      %gather3A_147 = tpu.vector_load_idx %arg9[%get3A_142] : memref<10240xf32, #tpu.memory_space<vmem>>[vector<16xi32>], vector<16xf32>,
      tpu.vector_store_idx %arg8[%get3A_146], %gather3A_147 {add = true} : memref<10240xf32, #tpu.memory_space<vmem>>[vector<16xi32>], vector<16xf32>,
      %add3A_148 = arith.constant 48 : i32
      %add3A_149 = arith.addi %mul3A_121, %add3A_148 : i32
      %get3A_150 = arith.index_cast %add3A_149 : i32 to index
      %get3A_151 = tpu.vector_load %arg6[%get3A_150] {strides = array<i32>} : memref<20000xi32, #tpu.memory_space<vmem>>, vector<16xi32>,
      %add3A_152 = arith.constant 48 : i32
      %add3A_153 = arith.addi %mul3A_121, %add3A_152 : i32
      %get3A_154 = arith.index_cast %add3A_153 : i32 to index
      %get3A_155 = tpu.vector_load %arg7[%get3A_154] {strides = array<i32>} : memref<20000xi32, #tpu.memory_space<vmem>>, vector<16xi32>,
      %gather3A_156 = tpu.vector_load_idx %arg9[%get3A_151] : memref<10240xf32, #tpu.memory_space<vmem>>[vector<16xi32>], vector<16xf32>,
      tpu.vector_store_idx %arg8[%get3A_155], %gather3A_156 {add = true} : memref<10240xf32, #tpu.memory_space<vmem>>[vector<16xi32>], vector<16xf32>,
      %add3A_157 = arith.constant 64 : i32
      %add3A_158 = arith.addi %mul3A_121, %add3A_157 : i32
      %get3A_159 = arith.index_cast %add3A_158 : i32 to index
      %get3A_160 = tpu.vector_load %arg6[%get3A_159] {strides = array<i32>} : memref<20000xi32, #tpu.memory_space<vmem>>, vector<16xi32>,
      %add3A_161 = arith.constant 64 : i32
      %add3A_162 = arith.addi %mul3A_121, %add3A_161 : i32
      %get3A_163 = arith.index_cast %add3A_162 : i32 to index
      %get3A_164 = tpu.vector_load %arg7[%get3A_163] {strides = array<i32>} : memref<20000xi32, #tpu.memory_space<vmem>>, vector<16xi32>,
      %gather3A_165 = tpu.vector_load_idx %arg9[%get3A_160] : memref<10240xf32, #tpu.memory_space<vmem>>[vector<16xi32>], vector<16xf32>,
      tpu.vector_store_idx %arg8[%get3A_164], %gather3A_165 {add = true} : memref<10240xf32, #tpu.memory_space<vmem>>[vector<16xi32>], vector<16xf32>,
      %add3A_166 = arith.constant 80 : i32
      %add3A_167 = arith.addi %mul3A_121, %add3A_166 : i32
      %get3A_168 = arith.index_cast %add3A_167 : i32 to index
      %get3A_169 = tpu.vector_load %arg6[%get3A_168] {strides = array<i32>} : memref<20000xi32, #tpu.memory_space<vmem>>, vector<16xi32>,
      %add3A_170 = arith.constant 80 : i32
      %add3A_171 = arith.addi %mul3A_121, %add3A_170 : i32
      %get3A_172 = arith.index_cast %add3A_171 : i32 to index
      %get3A_173 = tpu.vector_load %arg7[%get3A_172] {strides = array<i32>} : memref<20000xi32, #tpu.memory_space<vmem>>, vector<16xi32>,
      %gather3A_174 = tpu.vector_load_idx %arg9[%get3A_169] : memref<10240xf32, #tpu.memory_space<vmem>>[vector<16xi32>], vector<16xf32>,
      tpu.vector_store_idx %arg8[%get3A_173], %gather3A_174 {add = true} : memref<10240xf32, #tpu.memory_space<vmem>>[vector<16xi32>], vector<16xf32>,
      %add3A_175 = arith.constant 96 : i32
      %add3A_176 = arith.addi %mul3A_121, %add3A_175 : i32
      %get3A_177 = arith.index_cast %add3A_176 : i32 to index
      %get3A_178 = tpu.vector_load %arg6[%get3A_177] {strides = array<i32>} : memref<20000xi32, #tpu.memory_space<vmem>>, vector<16xi32>,
      %add3A_179 = arith.constant 96 : i32
      %add3A_180 = arith.addi %mul3A_121, %add3A_179 : i32
      %get3A_181 = arith.index_cast %add3A_180 : i32 to index
      %get3A_182 = tpu.vector_load %arg7[%get3A_181] {strides = array<i32>} : memref<20000xi32, #tpu.memory_space<vmem>>, vector<16xi32>,
      %gather3A_183 = tpu.vector_load_idx %arg9[%get3A_178] : memref<10240xf32, #tpu.memory_space<vmem>>[vector<16xi32>], vector<16xf32>,
      tpu.vector_store_idx %arg8[%get3A_182], %gather3A_183 {add = true} : memref<10240xf32, #tpu.memory_space<vmem>>[vector<16xi32>], vector<16xf32>,
      %add3A_184 = arith.constant 112 : i32
      %add3A_185 = arith.addi %mul3A_121, %add3A_184 : i32
      %get3A_186 = arith.index_cast %add3A_185 : i32 to index
      %get3A_187 = tpu.vector_load %arg6[%get3A_186] {strides = array<i32>} : memref<20000xi32, #tpu.memory_space<vmem>>, vector<16xi32>,
      %add3A_188 = arith.constant 112 : i32
      %add3A_189 = arith.addi %mul3A_121, %add3A_188 : i32
      %get3A_190 = arith.index_cast %add3A_189 : i32 to index
      %get3A_191 = tpu.vector_load %arg7[%get3A_190] {strides = array<i32>} : memref<20000xi32, #tpu.memory_space<vmem>>, vector<16xi32>,
      %gather3A_192 = tpu.vector_load_idx %arg9[%get3A_187] : memref<10240xf32, #tpu.memory_space<vmem>>[vector<16xi32>], vector<16xf32>,
      tpu.vector_store_idx %arg8[%get3A_191], %gather3A_192 {add = true} : memref<10240xf32, #tpu.memory_space<vmem>>[vector<16xi32>], vector<16xf32>,
      %add3A_193 = arith.constant 128 : i32
      %add3A_194 = arith.addi %mul3A_121, %add3A_193 : i32
      %get3A_195 = arith.index_cast %add3A_194 : i32 to index
      %get3A_196 = tpu.vector_load %arg6[%get3A_195] {strides = array<i32>} : memref<20000xi32, #tpu.memory_space<vmem>>, vector<16xi32>,
      %add3A_197 = arith.constant 128 : i32
      %add3A_198 = arith.addi %mul3A_121, %add3A_197 : i32
      %get3A_199 = arith.index_cast %add3A_198 : i32 to index
      %get3A_200 = tpu.vector_load %arg7[%get3A_199] {strides = array<i32>} : memref<20000xi32, #tpu.memory_space<vmem>>, vector<16xi32>,
      %gather3A_201 = tpu.vector_load_idx %arg9[%get3A_196] : memref<10240xf32, #tpu.memory_space<vmem>>[vector<16xi32>], vector<16xf32>,
      tpu.vector_store_idx %arg8[%get3A_200], %gather3A_201 {add = true} : memref<10240xf32, #tpu.memory_space<vmem>>[vector<16xi32>], vector<16xf32>,
      %add3A_202 = arith.constant 144 : i32
      %add3A_203 = arith.addi %mul3A_121, %add3A_202 : i32
      %get3A_204 = arith.index_cast %add3A_203 : i32 to index
      %get3A_205 = tpu.vector_load %arg6[%get3A_204] {strides = array<i32>} : memref<20000xi32, #tpu.memory_space<vmem>>, vector<16xi32>,
      %add3A_206 = arith.constant 144 : i32
      %add3A_207 = arith.addi %mul3A_121, %add3A_206 : i32
      %get3A_208 = arith.index_cast %add3A_207 : i32 to index
      %get3A_209 = tpu.vector_load %arg7[%get3A_208] {strides = array<i32>} : memref<20000xi32, #tpu.memory_space<vmem>>, vector<16xi32>,
      %gather3A_210 = tpu.vector_load_idx %arg9[%get3A_205] : memref<10240xf32, #tpu.memory_space<vmem>>[vector<16xi32>], vector<16xf32>,
      tpu.vector_store_idx %arg8[%get3A_209], %gather3A_210 {add = true} : memref<10240xf32, #tpu.memory_space<vmem>>[vector<16xi32>], vector<16xf32>,
      %scan3A_211 = arith.constant 0 : i32
      scf.yield %scan3A_211 : i32
    }
    %scan3A_103 = arith.constant 125 : i32
    "tpu.region"() ({
      %run_scoped3A_118 = tpu.sem_alloc : memref<!tpu.dma_semaphore, #tpu.memory_space<semaphore_mem>>
      %dma_start3A_119 = arith.constant 0 : i32
      %dma_start3A_120 = tpu.memref_slice %arg13[%arg1, %dma_start3A_119] : memref<16x10240xf32, #tpu.memory_space<vmem_shared>> -> memref<1x10240xf32, #tpu.memory_space<vmem_shared>>
      %dma_start3A_121 = tpu.memref_squeeze %dma_start3A_120 : memref<1x10240xf32, #tpu.memory_space<vmem_shared>> -> memref<10240xf32, #tpu.memory_space<vmem_shared>>
      %dma_start3A_122 = arith.constant 0 : i32
      %dma_start3A_123 = tpu.memref_slice %arg13[%arg1, %dma_start3A_122] : memref<16x10240xf32, #tpu.memory_space<vmem_shared>> -> memref<1x10240xf32, #tpu.memory_space<vmem_shared>>
      %dma_start3A_124 = tpu.memref_squeeze %dma_start3A_123 : memref<1x10240xf32, #tpu.memory_space<vmem_shared>> -> memref<10240xf32, #tpu.memory_space<vmem_shared>>
      tpu.enqueue_dma source(%arg8 : memref<10240xf32, #tpu.memory_space<vmem>>) target(%dma_start3A_124 : memref<10240xf32, #tpu.memory_space<vmem_shared>>) target_semaphore(%run_scoped3A_118 : memref<!tpu.dma_semaphore, #tpu.memory_space<semaphore_mem>>)
      %dma_wait3A_125 = arith.constant 0 : i32
      %dma_wait3A_126 = tpu.memref_slice %arg13[%arg1, %dma_wait3A_125] : memref<16x10240xf32, #tpu.memory_space<vmem_shared>> -> memref<1x10240xf32, #tpu.memory_space<vmem_shared>>
      %dma_wait3A_127 = tpu.memref_squeeze %dma_wait3A_126 : memref<1x10240xf32, #tpu.memory_space<vmem_shared>> -> memref<10240xf32, #tpu.memory_space<vmem_shared>>
      %dma_wait3A_128 = arith.constant 0 : i32
      %dma_wait3A_129 = tpu.memref_slice %arg13[%arg1, %dma_wait3A_128] : memref<16x10240xf32, #tpu.memory_space<vmem_shared>> -> memref<1x10240xf32, #tpu.memory_space<vmem_shared>>
      %dma_wait3A_130 = tpu.memref_squeeze %dma_wait3A_129 : memref<1x10240xf32, #tpu.memory_space<vmem_shared>> -> memref<10240xf32, #tpu.memory_space<vmem_shared>>
      tpu.wait_dma2 semaphore(%run_scoped3A_118 : memref<!tpu.dma_semaphore, #tpu.memory_space<semaphore_mem>>) src(%arg8 : memref<10240xf32, #tpu.memory_space<vmem>>) dst(%dma_wait3A_130 : memref<10240xf32, #tpu.memory_space<vmem_shared>>)
      tpu.yield
    }) : () -> ()
    %barrier3A_104 = arith.constant 0 : index
    tpu.barrier barrier_id(%barrier3A_104)
    "tpu.region"() ({
      %run_scoped3A_118 = tpu.sem_alloc : memref<!tpu.dma_semaphore, #tpu.memory_space<semaphore_mem>>
      %dma_start3A_119 = arith.constant 0 : i32
      %dma_start3A_120 = tpu.memref_slice %arg13[%dma_start3A_119, %mul3A_0] : memref<16x10240xf32, #tpu.memory_space<vmem_shared>> -> memref<16x640xf32, #tpu.memory_space<vmem_shared>>
      %dma_start3A_121 = arith.constant 0 : i32
      %dma_start3A_122 = tpu.memref_slice %arg13[%dma_start3A_121, %mul3A_0] : memref<16x10240xf32, #tpu.memory_space<vmem_shared>> -> memref<16x640xf32, #tpu.memory_space<vmem_shared>>
      tpu.enqueue_dma source(%dma_start3A_122 : memref<16x640xf32, #tpu.memory_space<vmem_shared>>) target(%arg11 : memref<16x640xf32, #tpu.memory_space<vmem>>) target_semaphore(%run_scoped3A_118 : memref<!tpu.dma_semaphore, #tpu.memory_space<semaphore_mem>>)
      %dma_wait3A_123 = arith.constant 0 : i32
      %dma_wait3A_124 = tpu.memref_slice %arg13[%dma_wait3A_123, %mul3A_0] : memref<16x10240xf32, #tpu.memory_space<vmem_shared>> -> memref<16x640xf32, #tpu.memory_space<vmem_shared>>
      %dma_wait3A_125 = arith.constant 0 : i32
      %dma_wait3A_126 = tpu.memref_slice %arg13[%dma_wait3A_125, %mul3A_0] : memref<16x10240xf32, #tpu.memory_space<vmem_shared>> -> memref<16x640xf32, #tpu.memory_space<vmem_shared>>
      tpu.wait_dma2 semaphore(%run_scoped3A_118 : memref<!tpu.dma_semaphore, #tpu.memory_space<semaphore_mem>>) src(%dma_wait3A_126 : memref<16x640xf32, #tpu.memory_space<vmem_shared>>) dst(%arg11 : memref<16x640xf32, #tpu.memory_space<vmem>>)
      tpu.yield
    }) : () -> ()
    %broadcast_in_dim3A_105 = arith.constant 0 : i32
    %broadcast_in_dim3A_106 = vector.broadcast %broadcast_in_dim3A_105 : i32 to vector<16xi32>
    %add3A_107 = vector.broadcast %arg0 : i32 to vector<16xi32>
    %add3A_108 = arith.addi %broadcast_in_dim3A_106, %add3A_107 : vector<16xi32>
    %gather3A_109 = tpu.vector_load_idx %arg12[%add3A_108] : memref<16xf32, #tpu.memory_space<vmem>>[vector<16xi32>], vector<16xf32>,
    %scan3A_110 = arith.constant 0 : i32
    %scan3A_111 = arith.constant 0 : i32
    %scan3A_112 = arith.constant 40 : i32
    %scan3A_113 = arith.addi %scan3A_111, %scan3A_112 : i32
    %scan3A_114 = arith.constant 1 : i32
    %scan3A_115 = scf.for %scan3A_118 = %scan3A_111 to %scan3A_113 step %scan3A_114 iter_args(%scan3A_119 = %scan3A_110) -> (i32)  : i32 {
      %mul3A_120 = arith.constant 16 : i32
      %mul3A_121 = arith.muli %scan3A_118, %mul3A_120 : i32
      %add3A_122 = arith.addi %mul3A_0, %mul3A_121 : i32
      %get3A = arith.index_cast %add3A_122 : i32 to index
      %get3A_123 = tpu.vector_load %arg10[%get3A] {strides = array<i32>} : memref<10240xf32, #tpu.memory_space<vmem>>, vector<16xf32>,
      %mul3A_124 = arith.constant 16 : i32
      %mul3A_125 = arith.muli %scan3A_118, %mul3A_124 : i32
      %get3A_126 = arith.constant 0 : i32
      %get3A_127 = arith.index_cast %get3A_126 : i32 to index
      %get3A_128 = arith.index_cast %mul3A_125 : i32 to index
      %get3A_129 = tpu.vector_load %arg11[%get3A_127, %get3A_128] {strides = array<i32>} : memref<16x640xf32, #tpu.memory_space<vmem>>, vector<16xf32>,
      %mul3A_130 = arith.constant 16 : i32
      %mul3A_131 = arith.muli %scan3A_118, %mul3A_130 : i32
      %get3A_132 = arith.constant 1 : i32
      %get3A_133 = arith.index_cast %get3A_132 : i32 to index
      %get3A_134 = arith.index_cast %mul3A_131 : i32 to index
      %get3A_135 = tpu.vector_load %arg11[%get3A_133, %get3A_134] {strides = array<i32>} : memref<16x640xf32, #tpu.memory_space<vmem>>, vector<16xf32>,
      %add3A_136 = arith.addf %get3A_129, %get3A_135 : vector<16xf32>
      %mul3A_137 = arith.constant 16 : i32
      %mul3A_138 = arith.muli %scan3A_118, %mul3A_137 : i32
      %get3A_139 = arith.constant 2 : i32
      %get3A_140 = arith.index_cast %get3A_139 : i32 to index
      %get3A_141 = arith.index_cast %mul3A_138 : i32 to index
      %get3A_142 = tpu.vector_load %arg11[%get3A_140, %get3A_141] {strides = array<i32>} : memref<16x640xf32, #tpu.memory_space<vmem>>, vector<16xf32>,
      %add3A_143 = arith.addf %add3A_136, %get3A_142 : vector<16xf32>
      %mul3A_144 = arith.constant 16 : i32
      %mul3A_145 = arith.muli %scan3A_118, %mul3A_144 : i32
      %get3A_146 = arith.constant 3 : i32
      %get3A_147 = arith.index_cast %get3A_146 : i32 to index
      %get3A_148 = arith.index_cast %mul3A_145 : i32 to index
      %get3A_149 = tpu.vector_load %arg11[%get3A_147, %get3A_148] {strides = array<i32>} : memref<16x640xf32, #tpu.memory_space<vmem>>, vector<16xf32>,
      %add3A_150 = arith.addf %add3A_143, %get3A_149 : vector<16xf32>
      %mul3A_151 = arith.constant 16 : i32
      %mul3A_152 = arith.muli %scan3A_118, %mul3A_151 : i32
      %get3A_153 = arith.constant 4 : i32
      %get3A_154 = arith.index_cast %get3A_153 : i32 to index
      %get3A_155 = arith.index_cast %mul3A_152 : i32 to index
      %get3A_156 = tpu.vector_load %arg11[%get3A_154, %get3A_155] {strides = array<i32>} : memref<16x640xf32, #tpu.memory_space<vmem>>, vector<16xf32>,
      %add3A_157 = arith.addf %add3A_150, %get3A_156 : vector<16xf32>
      %mul3A_158 = arith.constant 16 : i32
      %mul3A_159 = arith.muli %scan3A_118, %mul3A_158 : i32
      %get3A_160 = arith.constant 5 : i32
      %get3A_161 = arith.index_cast %get3A_160 : i32 to index
      %get3A_162 = arith.index_cast %mul3A_159 : i32 to index
      %get3A_163 = tpu.vector_load %arg11[%get3A_161, %get3A_162] {strides = array<i32>} : memref<16x640xf32, #tpu.memory_space<vmem>>, vector<16xf32>,
      %add3A_164 = arith.addf %add3A_157, %get3A_163 : vector<16xf32>
      %mul3A_165 = arith.constant 16 : i32
      %mul3A_166 = arith.muli %scan3A_118, %mul3A_165 : i32
      %get3A_167 = arith.constant 6 : i32
      %get3A_168 = arith.index_cast %get3A_167 : i32 to index
      %get3A_169 = arith.index_cast %mul3A_166 : i32 to index
      %get3A_170 = tpu.vector_load %arg11[%get3A_168, %get3A_169] {strides = array<i32>} : memref<16x640xf32, #tpu.memory_space<vmem>>, vector<16xf32>,
      %add3A_171 = arith.addf %add3A_164, %get3A_170 : vector<16xf32>
      %mul3A_172 = arith.constant 16 : i32
      %mul3A_173 = arith.muli %scan3A_118, %mul3A_172 : i32
      %get3A_174 = arith.constant 7 : i32
      %get3A_175 = arith.index_cast %get3A_174 : i32 to index
      %get3A_176 = arith.index_cast %mul3A_173 : i32 to index
      %get3A_177 = tpu.vector_load %arg11[%get3A_175, %get3A_176] {strides = array<i32>} : memref<16x640xf32, #tpu.memory_space<vmem>>, vector<16xf32>,
      %add3A_178 = arith.addf %add3A_171, %get3A_177 : vector<16xf32>
      %mul3A_179 = arith.constant 16 : i32
      %mul3A_180 = arith.muli %scan3A_118, %mul3A_179 : i32
      %get3A_181 = arith.constant 8 : i32
      %get3A_182 = arith.index_cast %get3A_181 : i32 to index
      %get3A_183 = arith.index_cast %mul3A_180 : i32 to index
      %get3A_184 = tpu.vector_load %arg11[%get3A_182, %get3A_183] {strides = array<i32>} : memref<16x640xf32, #tpu.memory_space<vmem>>, vector<16xf32>,
      %add3A_185 = arith.addf %add3A_178, %get3A_184 : vector<16xf32>
      %mul3A_186 = arith.constant 16 : i32
      %mul3A_187 = arith.muli %scan3A_118, %mul3A_186 : i32
      %get3A_188 = arith.constant 9 : i32
      %get3A_189 = arith.index_cast %get3A_188 : i32 to index
      %get3A_190 = arith.index_cast %mul3A_187 : i32 to index
      %get3A_191 = tpu.vector_load %arg11[%get3A_189, %get3A_190] {strides = array<i32>} : memref<16x640xf32, #tpu.memory_space<vmem>>, vector<16xf32>,
      %add3A_192 = arith.addf %add3A_185, %get3A_191 : vector<16xf32>
      %mul3A_193 = arith.constant 16 : i32
      %mul3A_194 = arith.muli %scan3A_118, %mul3A_193 : i32
      %get3A_195 = arith.constant 10 : i32
      %get3A_196 = arith.index_cast %get3A_195 : i32 to index
      %get3A_197 = arith.index_cast %mul3A_194 : i32 to index
      %get3A_198 = tpu.vector_load %arg11[%get3A_196, %get3A_197] {strides = array<i32>} : memref<16x640xf32, #tpu.memory_space<vmem>>, vector<16xf32>,
      %add3A_199 = arith.addf %add3A_192, %get3A_198 : vector<16xf32>
      %mul3A_200 = arith.constant 16 : i32
      %mul3A_201 = arith.muli %scan3A_118, %mul3A_200 : i32
      %get3A_202 = arith.constant 11 : i32
      %get3A_203 = arith.index_cast %get3A_202 : i32 to index
      %get3A_204 = arith.index_cast %mul3A_201 : i32 to index
      %get3A_205 = tpu.vector_load %arg11[%get3A_203, %get3A_204] {strides = array<i32>} : memref<16x640xf32, #tpu.memory_space<vmem>>, vector<16xf32>,
      %add3A_206 = arith.addf %add3A_199, %get3A_205 : vector<16xf32>
      %mul3A_207 = arith.constant 16 : i32
      %mul3A_208 = arith.muli %scan3A_118, %mul3A_207 : i32
      %get3A_209 = arith.constant 12 : i32
      %get3A_210 = arith.index_cast %get3A_209 : i32 to index
      %get3A_211 = arith.index_cast %mul3A_208 : i32 to index
      %get3A_212 = tpu.vector_load %arg11[%get3A_210, %get3A_211] {strides = array<i32>} : memref<16x640xf32, #tpu.memory_space<vmem>>, vector<16xf32>,
      %add3A_213 = arith.addf %add3A_206, %get3A_212 : vector<16xf32>
      %mul3A_214 = arith.constant 16 : i32
      %mul3A_215 = arith.muli %scan3A_118, %mul3A_214 : i32
      %get3A_216 = arith.constant 13 : i32
      %get3A_217 = arith.index_cast %get3A_216 : i32 to index
      %get3A_218 = arith.index_cast %mul3A_215 : i32 to index
      %get3A_219 = tpu.vector_load %arg11[%get3A_217, %get3A_218] {strides = array<i32>} : memref<16x640xf32, #tpu.memory_space<vmem>>, vector<16xf32>,
      %add3A_220 = arith.addf %add3A_213, %get3A_219 : vector<16xf32>
      %mul3A_221 = arith.constant 16 : i32
      %mul3A_222 = arith.muli %scan3A_118, %mul3A_221 : i32
      %get3A_223 = arith.constant 14 : i32
      %get3A_224 = arith.index_cast %get3A_223 : i32 to index
      %get3A_225 = arith.index_cast %mul3A_222 : i32 to index
      %get3A_226 = tpu.vector_load %arg11[%get3A_224, %get3A_225] {strides = array<i32>} : memref<16x640xf32, #tpu.memory_space<vmem>>, vector<16xf32>,
      %add3A_227 = arith.addf %add3A_220, %get3A_226 : vector<16xf32>
      %mul3A_228 = arith.constant 16 : i32
      %mul3A_229 = arith.muli %scan3A_118, %mul3A_228 : i32
      %get3A_230 = arith.constant 15 : i32
      %get3A_231 = arith.index_cast %get3A_230 : i32 to index
      %get3A_232 = arith.index_cast %mul3A_229 : i32 to index
      %get3A_233 = tpu.vector_load %arg11[%get3A_231, %get3A_232] {strides = array<i32>} : memref<16x640xf32, #tpu.memory_space<vmem>>, vector<16xf32>,
      %add3A_234 = arith.addf %add3A_227, %get3A_233 : vector<16xf32>
      %get3A_235 = arith.index_cast %add3A_122 : i32 to index
      %get3A_236 = tpu.vector_load %arg9[%get3A_235] {strides = array<i32>} : memref<10240xf32, #tpu.memory_space<vmem>>, vector<16xf32>,
      %add3A_237 = arith.addf %add3A_234, %get3A_236 : vector<16xf32>
      %mul3A_238 = arith.mulf %get3A_123, %add3A_237 : vector<16xf32>
      %add3A_239 = arith.addf %mul3A_238, %gather3A_109 : vector<16xf32>
      %mul3A_240 = arith.constant 16 : i32
      %mul3A_241 = arith.muli %scan3A_118, %mul3A_240 : i32
      %swap3A = arith.constant 0 : i32
      %swap3A_242 = arith.index_cast %swap3A : i32 to index
      %swap3A_243 = arith.index_cast %mul3A_241 : i32 to index
      %swap3A_244 = tpu.vector_load %arg11[%swap3A_242, %swap3A_243] {strides = array<i32>} : memref<16x640xf32, #tpu.memory_space<vmem>>, vector<16xf32>,
      tpu.vector_store %arg11[%swap3A_242, %swap3A_243], %add3A_239 {strides = array<i32>} : memref<16x640xf32, #tpu.memory_space<vmem>>, vector<16xf32>,
      %scan3A_245 = arith.constant 0 : i32
      scf.yield %scan3A_245 : i32
    }
    %scan3A_116 = arith.constant 40 : i32
    %run_scoped3A_117 = arith.constant 0 : i32
    "tpu.region"() ({
      %run_scoped3A_118 = tpu.sem_alloc : memref<!tpu.dma_semaphore, #tpu.memory_space<semaphore_mem>>
      %dma_start3A_119 = arith.constant 0 : i32
      %dma_start3A_120 = tpu.memref_slice %arg11[%run_scoped3A_117, %dma_start3A_119] : memref<16x640xf32, #tpu.memory_space<vmem>> -> memref<1x640xf32, #tpu.memory_space<vmem>>
      %dma_start3A_121 = tpu.memref_squeeze %dma_start3A_120 : memref<1x640xf32, #tpu.memory_space<vmem>> -> memref<640xf32, #tpu.memory_space<vmem>>
      %dma_start3A_122 = tpu.memref_slice %arg5[%arg0, %mul3A_0] : memref<2x10240xf32, #tpu.memory_space<hbm>> -> memref<1x640xf32, #tpu.memory_space<hbm>>
      %dma_start3A_123 = tpu.memref_squeeze %dma_start3A_122 : memref<1x640xf32, #tpu.memory_space<hbm>> -> memref<640xf32, #tpu.memory_space<hbm>>
      %dma_start3A_124 = tpu.memref_slice %arg5[%arg0, %mul3A_0] : memref<2x10240xf32, #tpu.memory_space<hbm>> -> memref<1x640xf32, #tpu.memory_space<hbm>>
      %dma_start3A_125 = tpu.memref_squeeze %dma_start3A_124 : memref<1x640xf32, #tpu.memory_space<hbm>> -> memref<640xf32, #tpu.memory_space<hbm>>
      %dma_start3A_126 = arith.constant 0 : i32
      %dma_start3A_127 = tpu.memref_slice %arg11[%run_scoped3A_117, %dma_start3A_126] : memref<16x640xf32, #tpu.memory_space<vmem>> -> memref<1x640xf32, #tpu.memory_space<vmem>>
      %dma_start3A_128 = tpu.memref_squeeze %dma_start3A_127 : memref<1x640xf32, #tpu.memory_space<vmem>> -> memref<640xf32, #tpu.memory_space<vmem>>
      tpu.enqueue_dma source(%dma_start3A_128 : memref<640xf32, #tpu.memory_space<vmem>>) target(%dma_start3A_125 : memref<640xf32, #tpu.memory_space<hbm>>) target_semaphore(%run_scoped3A_118 : memref<!tpu.dma_semaphore, #tpu.memory_space<semaphore_mem>>)
      %dma_wait3A_129 = arith.constant 0 : i32
      %dma_wait3A_130 = tpu.memref_slice %arg11[%run_scoped3A_117, %dma_wait3A_129] : memref<16x640xf32, #tpu.memory_space<vmem>> -> memref<1x640xf32, #tpu.memory_space<vmem>>
      %dma_wait3A_131 = tpu.memref_squeeze %dma_wait3A_130 : memref<1x640xf32, #tpu.memory_space<vmem>> -> memref<640xf32, #tpu.memory_space<vmem>>
      %dma_wait3A_132 = tpu.memref_slice %arg5[%arg0, %mul3A_0] : memref<2x10240xf32, #tpu.memory_space<hbm>> -> memref<1x640xf32, #tpu.memory_space<hbm>>
      %dma_wait3A_133 = tpu.memref_squeeze %dma_wait3A_132 : memref<1x640xf32, #tpu.memory_space<hbm>> -> memref<640xf32, #tpu.memory_space<hbm>>
      %dma_wait3A_134 = tpu.memref_slice %arg5[%arg0, %mul3A_0] : memref<2x10240xf32, #tpu.memory_space<hbm>> -> memref<1x640xf32, #tpu.memory_space<hbm>>
      %dma_wait3A_135 = tpu.memref_squeeze %dma_wait3A_134 : memref<1x640xf32, #tpu.memory_space<hbm>> -> memref<640xf32, #tpu.memory_space<hbm>>
      %dma_wait3A_136 = arith.constant 0 : i32
      %dma_wait3A_137 = tpu.memref_slice %arg11[%run_scoped3A_117, %dma_wait3A_136] : memref<16x640xf32, #tpu.memory_space<vmem>> -> memref<1x640xf32, #tpu.memory_space<vmem>>
      %dma_wait3A_138 = tpu.memref_squeeze %dma_wait3A_137 : memref<1x640xf32, #tpu.memory_space<vmem>> -> memref<640xf32, #tpu.memory_space<vmem>>
      tpu.wait_dma2 semaphore(%run_scoped3A_118 : memref<!tpu.dma_semaphore, #tpu.memory_space<semaphore_mem>>) src(%dma_wait3A_138 : memref<640xf32, #tpu.memory_space<vmem>>) dst(%dma_wait3A_135 : memref<640xf32, #tpu.memory_space<hbm>>)
      tpu.yield
    }) : () -> ()
    return
  }
}

module attributes {stable_mosaic.version = 14 : i64} {
  func.func @_mm_body(%arg0: memref<10000x128xf32, #tpu.memory_space<vmem>>, %arg1: memref<1x128xf32, #tpu.memory_space<vmem>>, %arg2: memref<128x128xf32, #tpu.memory_space<vmem>>, %arg3: memref<128x2xf32, #tpu.memory_space<vmem>>, %arg4: memref<2x10240xf32, #tpu.memory_space<vmem>>) attributes {dimension_semantics = [], scalar_prefetch = 0 : i64, scratch_operands = 0 : i64, tpu.core_type = #tpu.core_type<tc>} {
    %get3A = arith.constant 0 : index
    %get3A_0 = arith.constant 0 : index
    %get3A_1 = vector.load %arg2[%get3A, %get3A_0] : memref<128x128xf32, #tpu.memory_space<vmem>>, vector<128x128xf32>
    %get3A_2 = arith.constant 0 : index
    %get3A_3 = arith.constant 0 : index
    %get3A_4 = vector.load %arg3[%get3A_2, %get3A_3] : memref<128x2xf32, #tpu.memory_space<vmem>>, vector<128x2xf32>
    %dot_general3A = arith.constant dense<0.000000e+00> : vector<128x2xf32>
    %dot_general3A_5 = tpu.matmul %get3A_1, %get3A_4, %dot_general3A {dimension_numbers = #tpu.dot_dimension_numbers<[1], [0], [0], [1], [0, 0, 1, 1], [], []>, transpose_lhs_hint = false} : vector<128x128xf32>, vector<128x2xf32>, vector<128x2xf32> -> vector<128x2xf32>
    %get3A_6 = arith.constant 0 : index
    %get3A_7 = arith.constant 0 : index
    %get3A_8 = vector.load %arg0[%get3A_6, %get3A_7] : memref<10000x128xf32, #tpu.memory_space<vmem>>, vector<10000x128xf32>
    %dot_general3A_9 = arith.constant dense<0.000000e+00> : vector<2x10000xf32>
    %dot_general3A_10 = tpu.matmul %dot_general3A_5, %get3A_8, %dot_general3A_9 {dimension_numbers = #tpu.dot_dimension_numbers<[0], [1], [1], [0], [0, 1, 1, 0], [], []>, transpose_lhs_hint = false} : vector<128x2xf32>, vector<10000x128xf32>, vector<2x10000xf32> -> vector<2x10000xf32>
    %swap3A = arith.constant 0 : index
    %swap3A_11 = arith.constant 0 : index
    %swap3A_12 = vector.load %arg4[%swap3A, %swap3A_11] : memref<2x10240xf32, #tpu.memory_space<vmem>>, vector<2x10000xf32>
    tpu.vector_store %arg4[%swap3A, %swap3A_11], %dot_general3A_10 {strides = array<i32>} : memref<2x10240xf32, #tpu.memory_space<vmem>>, vector<2x10000xf32>,
    %get3A_13 = arith.constant 0 : index
    %get3A_14 = arith.constant 0 : index
    %get3A_15 = vector.load %arg1[%get3A_13, %get3A_14] : memref<1x128xf32, #tpu.memory_space<vmem>>, vector<1x128xf32>
    %dot_general3A_16 = arith.constant dense<0.000000e+00> : vector<2x1xf32>
    %dot_general3A_17 = tpu.matmul %dot_general3A_5, %get3A_15, %dot_general3A_16 {dimension_numbers = #tpu.dot_dimension_numbers<[0], [1], [1], [0], [0, 1, 1, 0], [], []>, transpose_lhs_hint = false} : vector<128x2xf32>, vector<1x128xf32>, vector<2x1xf32> -> vector<2x1xf32>
    %iota3A = tpu.iota {dimensions = array<i32: 1>} : vector<2x240xi32>
    %eq3A = arith.constant 0 : i32
    %eq3A_18 = vector.broadcast %eq3A : i32 to vector<2x240xi32>
    %eq3A_19 = arith.cmpi eq, %iota3A, %eq3A_18 : vector<2x240xi32>
    %jit3A = arith.constant 0.000000e+00 : f32
    %broadcast_in_dim3A = vector.shape_cast %dot_general3A_17 : vector<2x1xf32> to vector<2x1xf32>
    %broadcast_in_dim3A_20 = vector.broadcast %broadcast_in_dim3A : vector<2x1xf32> to vector<2x240xf32>
    %broadcast_in_dim3A_21 = vector.broadcast %jit3A : f32 to vector<2x240xf32>
    %select_n3A = arith.select %eq3A_19, %broadcast_in_dim3A_20, %broadcast_in_dim3A_21 : vector<2x240xi1>, vector<2x240xf32>
    %swap3A_22 = arith.constant 0 : index
    %swap3A_23 = arith.constant 10000 : index
    %swap3A_24 = vector.load %arg4[%swap3A_22, %swap3A_23] : memref<2x10240xf32, #tpu.memory_space<vmem>>, vector<2x240xf32>
    tpu.vector_store %arg4[%swap3A_22, %swap3A_23], %select_n3A {strides = array<i32>} : memref<2x10240xf32, #tpu.memory_space<vmem>>, vector<2x240xf32>,
    return
  }
}

module attributes {stable_mosaic.version = 14 : i64} {
  func.func @_sm_body(%arg0: memref<2x10240xf32, #tpu.memory_space<vmem>>, %arg1: memref<2x10240xf32, #tpu.memory_space<vmem>>, %arg2: memref<2x10240xf32, #tpu.memory_space<vmem>>) attributes {dimension_semantics = [], scalar_prefetch = 0 : i64, scratch_operands = 0 : i64, tpu.core_type = #tpu.core_type<tc>} {
    %get3A = arith.constant 0 : index
    %get3A_0 = arith.constant 0 : index
    %get3A_1 = vector.load %arg0[%get3A, %get3A_0] : memref<2x10240xf32, #tpu.memory_space<vmem>>, vector<2x10240xf32>
    %get3A_2 = arith.constant 0 : index
    %get3A_3 = arith.constant 0 : index
    %get3A_4 = vector.load %arg1[%get3A_2, %get3A_3] : memref<2x10240xf32, #tpu.memory_space<vmem>>, vector<2x10240xf32>
    %add3A = arith.addf %get3A_1, %get3A_4 : vector<2x10240xf32>
    %mul3A = arith.constant 2.000000e+00 : f32
    %mul3A_5 = vector.broadcast %mul3A : f32 to vector<2x10240xf32>
    %mul3A_6 = arith.mulf %add3A, %mul3A_5 : vector<2x10240xf32>
    %reduce_max3A = arith.constant dense<0xFF800000> : vector<10240xf32>
    %reduce_max3A_7 = vector.multi_reduction <maximumf>, %mul3A_6, %reduce_max3A [0] : vector<2x10240xf32> to vector<10240xf32>
    %broadcast_in_dim3A = vector.shape_cast %reduce_max3A_7 : vector<10240xf32> to vector<1x10240xf32>
    %sub3A = vector.broadcast %broadcast_in_dim3A : vector<1x10240xf32> to vector<2x10240xf32>
    %sub3A_8 = arith.subf %mul3A_6, %sub3A : vector<2x10240xf32>
    %exp3A = math.exp %sub3A_8 : vector<2x10240xf32>
    %reduce_sum3A = arith.constant dense<0.000000e+00> : vector<10240xf32>
    %reduce_sum3A_9 = vector.multi_reduction <add>, %exp3A, %reduce_sum3A [0] : vector<2x10240xf32> to vector<10240xf32>
    %broadcast_in_dim3A_10 = vector.shape_cast %reduce_sum3A_9 : vector<10240xf32> to vector<1x10240xf32>
    %div3A = vector.broadcast %broadcast_in_dim3A_10 : vector<1x10240xf32> to vector<2x10240xf32>
    %div3A_11 = arith.divf %exp3A, %div3A : vector<2x10240xf32>
    %swap3A = arith.constant 0 : index
    %swap3A_12 = arith.constant 0 : index
    %swap3A_13 = vector.load %arg2[%swap3A, %swap3A_12] : memref<2x10240xf32, #tpu.memory_space<vmem>>, vector<2x10240xf32>
    tpu.vector_store %arg2[%swap3A, %swap3A_12], %div3A_11 {strides = array<i32>} : memref<2x10240xf32, #tpu.memory_space<vmem>>, vector<2x10240xf32>,
    return
  }
}

</mosaic_0001>

<sc_bundles>
// kernel: kernel.5.cloned.1.call-start
scs
__scs_entry_jumppad:
0x0: {  	(pc) =	sbr.rel $0x88, $3  }
0x1: {  	(tag) =	ssettag $0x0;
	lr =	simm.s32 $0x1  }
0x2: {  	[smem:$0x3F9B] =	sst lr;
	_ =	strace $0xD0000000  }
0x3: {  	_ = 	snop  }
0x4: {  	_ = 	snop  }
0x5: {  	_ = 	snop  }
0x6: {  	_ = 	snop  }
0x7: {  	_ = 	snop  }
__scs_overlays_trampoline_lowered:
0x8: {  	[smem:$0x3FAA] =	sst s0  }
0x9: {  	[smem:$0x3FAB] =	sst s1  }
0xa: {  	[smem:$0x3FAC] =	sst s2  }
0xb: {  	[smem:$0x3FAD] =	sst s3  }
0xc: {  	[smem:$0x3FAE] =	sst s4  }
0xd: {  	[smem:$0x3FAF] =	sst s5  }
0xe: {  	[smem:$0x3FB0] =	sst s6  }
0xf: {  	[smem:$0x3FB1] =	sst s7  }
0x10: {  	[smem:$0x3FB2] =	sst s8  }
0x11: {  	[smem:$0x3FB3] =	sst s9;
	s0 =	simm.s32 @!p0 $0x0  }
0x12: {  	s1 =	sld [smem:$0x3F99];
	s0 =	simm.s32 @p0 $0x1  }
0x13: {  	[smem:$0x3FB4] =	sst s0;
	s0 =	simm.s32 @!p1 $0x0  }
0x14: {  	s2 =	sld [smem:$0x3F98];
	s0 =	simm.s32 @p1 $0x1  }
0x15: {  	[smem:$0x3FB5] =	sst s0;
	s0 =	simm.s32 @!p2 $0x0  }
0x16: {  	s3 =	sld [smem:$0x3FDB];
	s0 =	simm.s32 @p2 $0x1  }
0x17: {  	s4 =	simm.s32 $0x1BF5;
	[smem:$0x3FB7] =	sst s0  }
0x18: {  	s0 =	sld [smem:$0x3F9A];
	_ =	swait.ge [sflag:s4], $0x0  }
0x19: {  	s7 =	sld [smem:$0x3F9B]  }
0x1a: {  	s8 =	sadd.s32 $0xFFFFE003, lr  }
0x1b: {  	s9 =	sadd.s32 $0xFFFFFEF7, lr;
	s5 =	simm.s32 $0xFFFFFFFF;
	p2 =	slt.u32 s8, $0xFFFFF086  }
0x1c: {  	p1 =	slt.u32 s9, $0xF7A;
	s5 =	simm.s32 @!p2 $0x0  }
0x1d: {  	s5 =	simm.s32 @p1 $0x1;
	p0 =	seq.s32 s7, s2  }
0x1e: {  	s7 =	smul.u32 @!p0 $0xF7A, s2;
	p2 =	seq.s32 @!p0 s5, $0x0  }
0x1f: {  	s9 =	smul.u32 $0xF7A, s1;
	s8 =	simm.s32 @!p0 $0x1BF5;
	p2 =	por !p2, p0  }
0x20: {  	[sflag:s8] =	ssyncset.s32 @!p0 $0xFFFFF086;
	s6 =	sadd.s32 @!p0 s3, s7;
	s7 =	simm.s32 @!p0 $0x108  }
0x21: {  	s3 =	sadd.s32 s3, s9;
	s6 =	sadd.s32 @!p0 $0x88, s6;
	s7 =	simm.s32 @p2 $0x1082  }
0x22: {  	[simem:s7], [sflag:s8] =	dma.local @!p0 [hbm:s6], $0xF7A  }
0x23: {  	s9 =	sor.u32 $0xD0000000, s2;
	s6 =	simm.s32 $0x108;
	_ =	swait.ge @!p0 [sflag:s8], $0x0  }
0x24: {  	s3 =	sadd.s32 $0x88, s3;
	s6 =	simm.s32 @!p1 $0x1082;
	[sflag:s4] =	ssyncset.s32 $0xFFFFF086  }
0x25: {  	[simem:s6], [sflag:s4] =	dma.local [hbm:s3], $0xF7A  }
0x26: {  	[smem:$0x3F9B] =	sst s1;
	(tag) =	ssettag s2;
	_ =	strace s9  }
0x27: {  	s1 =	sld [smem:$0x3FAB]  }
0x28: {  	s2 =	sld [smem:$0x3FAC]  }
0x29: {  	s4 =	sld [smem:$0x3FAE]  }
0x2a: {  	p0 =	seq.s32 s5, $0x0;
	s5 =	sld [smem:$0x3FAF]  }
0x2b: {  	s6 =	sld [smem:$0x3FB0]  }
0x2c: {  	s7 =	sld [smem:$0x3FB1]  }
0x2d: {  	s3 =	simm.s32 $0x108;
	s8 =	sld [smem:$0x3FB2]  }
0x2e: {  	s3 =	simm.s32 @!p0 $0x1082;
	s9 =	sld [smem:$0x3FB3]  }
0x2f: {  	lr =	sadd.s32 s0, s3;
	s0 =	sld [smem:$0x3FAA]  }
0x30: {  	s3 =	sld [smem:$0x3FAD]  }
0x31: {  	[smem:$0x3FB6] =	sst s10  }
0x32: {  	s10 =	sld [smem:$0x3FB4];
	_ =	sdelay $0x3  }
0x33: {  	p0 =	seq.s32 s10, $0x1;
	s10 =	sld [smem:$0x3FB6];
	_ =	sdelay $0x3  }
0x34: {  	[smem:$0x3FB6] =	sst s10  }
0x35: {  	s10 =	sld [smem:$0x3FB5];
	_ =	sdelay $0x3  }
0x36: {  	p1 =	seq.s32 s10, $0x1;
	s10 =	sld [smem:$0x3FB6];
	_ =	sdelay $0x3  }
0x37: {  	[smem:$0x3FB6] =	sst s10  }
0x38: {  	s10 =	sld [smem:$0x3FB7]  }
0x39: {  	_ = 	snop;
	(pc) =	sbr.ind lr, $3  }
0x3a: {  	_ = 	snop  }
0x3b: {  	_ = 	snop  }
0x3c: {  	p2 =	seq.s32 s10, $0x1;
	s10 =	sld [smem:$0x3FB6]  }
0x3d: {  	_ =	shalt  }
0x3e: {  	_ =	shalt  }
0x3f: {  	_ =	shalt  }
0x40: {  	_ =	shalt  }
0x41: {  	_ =	shalt  }
0x42: {  	_ =	shalt  }
0x43: {  	_ =	shalt  }
0x44: {  	_ =	shalt  }
0x45: {  	_ =	shalt  }
0x46: {  	_ =	shalt  }
0x47: {  	_ =	shalt  }
0x48: {  	_ =	shalt  }
0x49: {  	_ =	shalt  }
0x4a: {  	_ =	shalt  }
0x4b: {  	_ =	shalt  }
0x4c: {  	_ =	shalt  }
0x4d: {  	_ =	shalt  }
0x4e: {  	_ =	shalt  }
0x4f: {  	_ =	shalt  }
0x50: {  	_ =	shalt  }
0x51: {  	_ =	shalt  }
0x52: {  	_ =	shalt  }
0x53: {  	_ =	shalt  }
0x54: {  	_ =	shalt  }
0x55: {  	_ =	shalt  }
0x56: {  	_ =	shalt  }
0x57: {  	_ =	shalt  }
0x58: {  	_ =	shalt  }
0x59: {  	_ =	shalt  }
0x5a: {  	_ =	shalt  }
0x5b: {  	_ =	shalt  }
0x5c: {  	_ =	shalt  }
0x5d: {  	_ =	shalt  }
0x5e: {  	_ =	shalt  }
0x5f: {  	_ =	shalt  }
0x60: {  	_ =	shalt  }
0x61: {  	_ =	shalt  }
0x62: {  	_ =	shalt  }
0x63: {  	_ =	shalt  }
0x64: {  	_ =	shalt  }
0x65: {  	_ =	shalt  }
0x66: {  	_ =	shalt  }
0x67: {  	_ =	shalt  }
0x68: {  	_ =	shalt  }
0x69: {  	_ =	shalt  }
0x6a: {  	_ =	shalt  }
0x6b: {  	_ =	shalt  }
0x6c: {  	_ =	shalt  }
0x6d: {  	_ =	shalt  }
0x6e: {  	_ =	shalt  }
0x6f: {  	_ =	shalt  }
0x70: {  	_ =	shalt  }
0x71: {  	_ =	shalt  }
0x72: {  	_ =	shalt  }
0x73: {  	_ =	shalt  }
0x74: {  	_ =	shalt  }
0x75: {  	_ =	shalt  }
0x76: {  	_ =	shalt  }
0x77: {  	_ =	shalt  }
0x78: {  	_ =	shalt  }
0x79: {  	_ =	shalt  }
0x7a: {  	_ =	shalt  }
0x7b: {  	_ =	shalt  }
0x7c: {  	_ =	shalt  }
0x7d: {  	_ =	shalt  }
0x7e: {  	_ =	shalt  }
0x7f: {  	_ =	shalt  }
0x80: {  	_ =	shalt  }
0x81: {  	_ =	shalt  }
0x82: {  	_ =	shalt  }
0x83: {  	_ =	shalt  }
0x84: {  	_ =	shalt  }
0x85: {  	_ =	shalt  }
0x86: {  	_ =	shalt  }
0x87: {  	_ =	shalt  }
.Lfunc_end0:
.L_simem_size_0:
called_computation_lowered:
.L_overlay_start_0:
0x88: {  	s2 =	sld [smem:$0x3FD9]  }
0x89: {  	s3 =	sld [smem:$0x3FFE];
	_ =	sdelay $0x1  }
0x8a: {  	s1 =	srdreg.scid  }
0x8b: {  	s0 =	sand.u32 $0x1, s1  }
0x8c: {  	s17 =	sshll.u32 s0, $0xA;
	s2 =	sadd.s32 s3, s2  }
0x8d: {  	s2 =	sadd.s32 s2, s17  }
0x8e: {  	[smem:$0x3FC2] =	sst s2  }
0x8f: {  	_ = 	snop  }
0x90: {  	s2 =	sld [smem:$0x3FD0];
	(tm) =	ssettm $0x1  }
0x91: {  	s18 =	sld [smem:$0x3FFB];
	_ =	sdelay $0x3  }
0x92: {  	_ =	strace s18  }
0x93: {  	s3 =	sld [smem:$0x3FFC];
	_ =	sdelay $0x3  }
0x94: {  	_ =	strace s3  }
0x95: {  	s3 =	sld [smem:$0x3FFD];
	_ =	sdelay $0x3  }
0x96: {  	_ =	strace s3  }
0x97: {  	_ =	strace $0x8FFFFFFF  }
0x98: {  	s19 =	sld [smem:$0x3FDB];
	_ =	sdelay $0x1  }
0x99: {  	s4 =	simm.s32 $_scs_section_size  }
0x9a: {  	s5 =	simm.s32 $_size__tile_overlayer_lowered;
	s6 =	simm.s32 $_tile_overlayer_lowered  }
0x9b: {  	s22 =	simm.s32 $0x1BFF;
	s21 =	sshll.u32 s6, $0x1;
	s3 =	sadd.s32 s4, s19  }
0x9c: {  	s7 =	simm.s32 $0x0;
	s20 =	sshll.u32 s5, $0x1;
	s5 =	sadd.s32 s21, s3  }
0x9d: {  	[timem:s7], [sflag:s22] =	dma.local [hbm:s5], s20  }
0x9e: {  	_ =	swait.ge [sflag:s22], s20  }
0x9f: {  	s4 =	ssub.s32 $0x0, s20;
	[sflag:s22] =	ssyncset.done $0x0  }
0xa0: {  	[sflag:s22] =	ssyncadd.s32 s4;
	_ =	sdelay $0x1  }
0xa1: {  	s23 =	simm.s32 $0x1B8B  }
0xa2: {  	_ =	swait.ge [sflag:s23], $0x1  }
0xa3: {  	[sflag:s23] =	ssyncset.done $0x0  }
0xa4: {  	s25 =	simm.s32 $0x1B8E;
	s24 =	sld [smem:$0x3FFE];
	[sflag:s23] =	ssyncadd.s32 $0xFFFFFFFF  }
0xa5: {  	s26 =	simm.s32 $execute0_lowered;
	[smem:$0x3FD2] =	sst s25  }
0xa6: {  	s5 =	sshll.u32 s26, $0x1;
	_ =	strace $0x80000046;
	[dreg:$0x1] =	wrdreg $0xFFFFFFFF  }
0xa7: {  	s28 =	simm.s32 $_size_execute0_lowered;
	s3 =	sadd.s32 s3, s5;
	[dreg:$0x0] =	wrdreg $0x0  }
0xa8: {  	s5 =	sshll.u32 s28, $0x1;
	[dreg:$0x2] =	wrdreg s3  }
0xa9: {  	[dreg:$0x3] =	wrdreg s5  }
0xaa: {  	[dreg:$0x4] =	wrdreg $0xC0  }
0xab: {  	_ =	task [dreg:s7], $0x5FFFF  }
0xac: {  	[dreg:$0x1] =	wrdreg $0xFFFFFFFF  }
0xad: {  	[dreg:$0x0] =	wrdreg $0x60  }
0xae: {  	[dreg:$0x2] =	wrdreg s24  }
0xaf: {  	[dreg:$0x3] =	wrdreg s2  }
0xb0: {  	[dreg:$0x4] =	wrdreg $0x13D800  }
0xb1: {  	[dreg:$0x5] =	wrdreg $0x165800  }
0xb2: {  	[dreg:$0x6] =	wrdreg $0x9  }
0xb3: {  	_ =	task.clear_ibuf [dreg:s7], $0x7FFFF;
	_ =	strace $0x90000046  }
0xb4: {  	s29 =	simm.s32 $0x9;
	_ =	strace $0x80000048  }
0xb5: {  	_ =	swait.ge [sflag:s29], $0x1  }
0xb6: {  	[sflag:s29] =	ssyncadd.s32 $0xFFFFFFFF  }
0xb7: {  	_ =	strace $0x90000048  }
0xb8: {  	_ =	sfence  }
0xb9: {  	s30 =	sld [smem:$0x0];
	_ =	sdelay $0x2  }
0xba: {  	s31 =	sshll.u32 s1, $0xD;
	s1 =	sshrl.u32 s1, $0x2  }
0xbb: {  	s3 =	sand.u32 $0x4000, s31;
	s1 =	sadd.s32 s1, s30  }
0xbc: {  	s0 =	sor.u32 s3, s0;
	s1 =	sshll.u32 s1, $0x11  }
0xbd: {  	s0 =	sor.u32 s1, s0  }
0xbe: {  	s0 =	sadd.s32 $0x8F2B, s0  }
0xbf: {  	[sflag:s0] =	ssyncadd.remote.s32 $0x1  }
0xc0: {  	_ =	sfence.sel $0xFFFF  }
0xc1: {  	[dreg:$0x0] =	wrdreg $0xFFFFFFFF;
	(pc) =	sbr.abs _section_cstart, $3  }
0xc2: {  	[dreg:$0x1] =	wrdreg $0xFFFFFFFF  }
0xc3: {  	_ =	task.clear_ibuf [dreg:s7], $0x2FFFF;
	_ =	strace $0x9FFFFFFF  }
0xc4: {  	(tm) =	ssettm $0x7FFFFFFF  }
0xc5: {  	_ =	shalt  }
tec
execute0_lowered:
.L_overlay_start_1:
0x0: {  	(tag) =	ssettag $0x1  }
0x1: {  	s0 =	rddreg [dreg:$0x0]  }
0x2: {  	s1 =	rddreg [dreg:$0x2]  }
0x3: {  	s11 =	rddreg [dreg:$0x3];
	s4 =	simm.s32 $0x0  }
0x4: {  	s10 =	stileid.u32;
	s3 =	srdreg.scid;
	s19 =	simm.s32 $0x80  }
0x5: {  	s28 =	simm.s32 $0x1400;
	s29 =	simm.s32 $0x14000;
	s30 =	simm.s32 $0x11500  }
0x6: {  	s31 =	simm.s32 $0x11900;
	s20 =	simm.s32 $0x2;
	s18 =	simm.s32 $0x0  }
0x7: {  	[smem:$0x7FF] =	sst s4;
	s2 =	smul.u32 $0x4E20, s10;
	s3 =	sand.u32 $0x1, s3  }
0x8: {  	s5 =	smul.u32 $0x500, s10;
	s8 =	sshrl.u32 s10, $0x3;
	s23 =	sshll.u32 s10, $0x7  }
0x9: {  	_ =	strace $0x80000047;
	s6 =	sshll.u32 s3, $0x4;
	s7 =	sshll.u32 s3, $0x7  }
0xa: {  	s21 =	ssub.s32 $0x2, s3;
	s8 =	smul.u32 $0x50000, s8;
	s24 =	sand.u32 $0x380, s23  }
0xb: {  	s2 =	sshrl.u32 s2, $0x3;
	s6 =	sadd.s32 s6, s0;
	s5 =	sor.u32 s7, s5  }
0xc: {  	s22 =	sshrl.u32 s21, $0x1;
	s2 =	sadd.s32 s2, s0;
	s5 =	sshrl.u32 s5, $0x3  }
0xd: {  	s7 =	ssub.s32 s21, s22;
	s8 =	sshrl.u32 s8, $0x2;
	s6 =	sadd.s32 $0x14C00, s6  }
0xe: {  	s21 =	simm.s32 $0xC500;
	s0 =	sadd.s32 s5, s0;
	s5 =	smul.u32 $0x280, s10  }
0xf: {  	s9 =	sadd.s32 $0xAE40, s2;
	s10 =	smul.u32 $0x5000, s10;
	[dreg:$0x7] =	wrdreg s6  }
0x10: {  	s2 =	sadd.s32 $0x1200, s2;
	s8 =	sadd.s32 s8, s1;
	[dreg:$0x5] =	wrdreg s9  }
0x11: {  	s26 =	smax.u32 s7, $0x1;
	[dreg:$0x6] =	wrdreg s2;
	s9 =	sadd.s32 s24, s8  }
0x12: {  	s12 =	sadd.s32 $0x15600, s0;
	[dreg:$0x8] =	wrdreg s26;
	s24 =	simm.s32 $0x9D00  }
0x13: {  	s26 =	simm.s32 $0x3;
	s0 =	simm.s32 $0x11D00;
	s25 =	sshrl.u32 s10, $0x2  }
0x14: {  	s2 =	simm.s32 $0x12100;
	s11 =	sadd.s32 s5, s11;
	s10 =	sadd.s32 s25, s1  }
0x15: {  	v1 =	vimm.f32 $0.0e+00;
	s14 =	sadd.s32 $0x80, s11;
	s15 =	sadd.s32 $0x100, s11;
	s16 =	sadd.s32 $0x180, s11  }
0x16: {  	v2 =	vimm.f32 $1.000000000e+00;
	v3 =	vimm.s32 $0x2710;
	v0 =	vmov s3;
	s17 =	sadd.s32 $0x200, s11;
	s25 =	simm.s32 $0x400;
	s1 =	simm.s32 $0x12500  }
.LBB2_1:
0x17: {  	s3 =	rddreg [dreg:$0x5]  }
0x18: {  	s6 =	simm.s32 $0x4E80;
	s7 =	rddreg [dreg:$0x6]  }
0x19: {  	[tilespmem:s6], [sflag:$0x1] =	stream.linear.gather [hbm4b:s3+s4], $0x4E20, $0x38;
	[tilespmem:$0x16800] =	vst v63  }
0x1a: {  	s8 =	rddreg [dreg:$0x7]  }
0x1b: {  	[tilespmem:s4], [sflag:$0x2] =	stream.linear.gather [hbm4b:s7+s4], $0x4E20, $0x38;
	[tilespmem:$0x16800] =	vst v63  }
0x1c: {  	s13 =	simm.s32 $0x100;
	s22 =	rddreg [dreg:$0x1]  }
0x1d: {  	[tilespmem:s21], [sflag:$0x2] =	stream.strided.gather [hbm4b:s8+s19], $0x2800, s13, s19, $0x38;
	[tilespmem:$0x16800] =	vst v63  }
0x1e: {  	s23 =	simm.s32 $0x13D00;
	s3 =	simm.s32 $0x0;
	s6 =	simm.s32 $0x200  }
0x1f: {  	[tilespmem:s23], [sflag:$0x2] =	stream.linear.gather [hbm4b:s22+s4], $0x80, $0x38;
	[tilespmem:$0x16800] =	vst v63  }
.LBB2_2:
0x20: {  	p0 =	sne.s32 s6, $0x9E00;
	[tilespmem:s3+$0x9D70] =	vst v1  }
0x21: {  	[tilespmem:s3+$0x9D00] =	vst v1  }
0x22: {  	[tilespmem:s3+$0x9D10] =	vst v1  }
.Ltmp0:
0x23: {  	[tilespmem:s3+$0x9D20] =	vst v1;
	(pc) =	sbr.rel @p0 .LBB2_2-.Ltmp0, $4  }
0x24: {  	[tilespmem:s3+$0x9D30] =	vst v1  }
0x25: {  	[tilespmem:s3+$0x9D40] =	vst v1  }
0x26: {  	[tilespmem:s3+$0x9D50] =	vst v1  }
0x27: {  	[tilespmem:s3+$0x9D60] =	vst v1;
	s3 =	sshra.s32 s6, $0x2;
	s6 =	sadd.s32 $0x200, s6  }
0x28: {  	[tilespmem:s3+$0x9D70] =	vst v1  }
0x29: {  	[tilespmem:s3+$0x9D00] =	vst v1  }
0x2a: {  	[tilespmem:s3+$0x9D10] =	vst v1  }
0x2b: {  	[tilespmem:s3+$0x9D20] =	vst v1  }
0x2c: {  	[tilespmem:s3+$0x9D30] =	vst v1  }
0x2d: {  	[tilespmem:s3+$0x9D40] =	vst v1  }
0x2e: {  	[tilespmem:s3+$0x9D50] =	vst v1  }
0x2f: {  	[tilespmem:s3+$0x9D60] =	vst v1;
	s23 =	simm.s32 $0x1  }
0x30: {  	_ =	swait.ge [sflag:s23], $0x4E20  }
0x31: {  	[sflag:s23] =	ssyncset.done $0x0  }
0x32: {  	s3 =	simm.s32 $0x0;
	s6 =	simm.s32 $0x4ED0;
	[sflag:s23] =	ssyncadd.s32 $0xFFFFB1E0  }
.LBB2_4:
0x33: {  	v4 =	vld [tilespmem:s6+$0xFFFFFFB0];
	_ =	sdelay $0x7  }
0x34: {  	[tilespmem:v4+s24+$0x0] =	vst.idx.add.f32.msk $0xffff, v2  }
0x35: {  	v4 =	vld [tilespmem:s6+$0xFFFFFFC0];
	_ =	sdelay $0x7  }
0x36: {  	[tilespmem:v4+s24+$0x0] =	vst.idx.add.f32.msk $0xffff, v2  }
0x37: {  	v4 =	vld [tilespmem:s6+$0xFFFFFFD0];
	_ =	sdelay $0x7  }
0x38: {  	[tilespmem:v4+s24+$0x0] =	vst.idx.add.f32.msk $0xffff, v2  }
0x39: {  	v4 =	vld [tilespmem:s6+$0xFFFFFFE0];
	_ =	sdelay $0x7  }
0x3a: {  	[tilespmem:v4+s24+$0x0] =	vst.idx.add.f32.msk $0xffff, v2  }
0x3b: {  	v4 =	vld [tilespmem:s6+$0xFFFFFFF0];
	_ =	sdelay $0x7  }
0x3c: {  	[tilespmem:v4+s24+$0x0] =	vst.idx.add.f32.msk $0xffff, v2  }
0x3d: {  	v4 =	vld [tilespmem:s6+$0x0];
	_ =	sdelay $0x7  }
0x3e: {  	[tilespmem:v4+s24+$0x0] =	vst.idx.add.f32.msk $0xffff, v2  }
0x3f: {  	v4 =	vld [tilespmem:s6+$0x10];
	_ =	sdelay $0x7  }
0x40: {  	[tilespmem:v4+s24+$0x0] =	vst.idx.add.f32.msk $0xffff, v2  }
0x41: {  	v4 =	vld [tilespmem:s6+$0x20];
	_ =	sdelay $0x7  }
0x42: {  	s7 =	sand.u32 $0x7FE0, s3;
	[tilespmem:v4+s24+$0x0] =	vst.idx.add.f32.msk $0xffff, v2  }
0x43: {  	v4 =	vld [tilespmem:s7+$0x4F00];
	_ =	sdelay $0x7  }
0x44: {  	[tilespmem:v4+s24+$0x0] =	vst.idx.add.f32.msk $0xffff, v2  }
0x45: {  	v4 =	vld [tilespmem:s6+$0x40];
	_ =	sdelay $0x2  }
0x46: {  	p0 =	sne.s32 s3, $0x4D80  }
.Ltmp1:
0x47: {  	_ = 	snop;
	(pc) =	sbr.rel @p0 .LBB2_4-.Ltmp1, $2  }
0x48: {  	_ =	sdelay $0x2  }
0x49: {  	s3 =	sadd.s32 $0xA0, s3;
	s6 =	sadd.s32 $0xA0, s6;
	[tilespmem:v4+s24+$0x0] =	vst.idx.add.f32.msk $0xffff, v2  }
0x4a: {  	[spmem:s9] =	stream.strided.scatter [tilespmem:s24], [sflag:$0x3], $0x2800, s25, s19, $0x38;
	[tilespmem:$0x16800] =	vst v63  }
0x4b: {  	_ =	swait.ge [sflag:s26], $0x2800  }
0x4c: {  	[sflag:s26] =	ssyncset.done $0x0  }
0x4d: {  	[sflag:s26] =	ssyncadd.s32 $0xFFFFD800  }
0x4e: {  	s6 =	simm.s32 $0x0;
	[bflag:$0x0] =	sbarrier.arrive $0xFFFF  }
0x4f: {  	[tilespmem:s30], [sflag:$0x3] =	stream.strided.gather [spmem:s10], $0x2800, s29, s28, $0x38;
	[tilespmem:$0x16800] =	vst v63  }
0x50: {  	s3 =	sand.u32 $0x70, s6;
	s7 =	sand.u32 $0x1C00, s6;
	_ =	swait.ge [sflag:s26], $0x2800  }
0x51: {  	s3 =	sor.u32 s3, s7;
	[sflag:s26] =	ssyncset.done $0x0  }
0x52: {  	s7 =	sadd.s32 $0x11500, s3;
	[sflag:s26] =	ssyncadd.s32 $0xFFFFD800  }
0x53: {  	v4 =	vld [tilespmem:s7+$0x80]  }
0x54: {  	v5 =	vld [tilespmem:s3+$0x11500];
	_ =	sdelay $0x1  }
0x55: {  	v6 =	vld [tilespmem:s7+$0x100];
	_ =	sdelay $0x1  }
0x56: {  	v7 =	vld [tilespmem:s7+$0x180]  }
0x57: {  	v4 =	vadd.f32 v4, v5  }
0x58: {  	v5 =	vld [tilespmem:s7+$0x200]  }
0x59: {  	v4 =	vadd.f32 v6, v4  }
0x5a: {  	v6 =	vld [tilespmem:s7+$0x280]  }
0x5b: {  	v4 =	vadd.f32 v7, v4  }
0x5c: {  	s6 =	sor.u32 s6, s6;
	v7 =	vld [tilespmem:s7+$0x300]  }
0x5d: {  	s6 =	sor.u32 $0x380, s6;
	v4 =	vadd.f32 v5, v4  }
0x5e: {  	v5 =	vld [tilespmem:s6+$0x11500]  }
0x5f: {  	v4 =	vadd.f32 v6, v4  }
0x60: {  	v6 =	vld [tilespmem:s3+$0x12900]  }
0x61: {  	v4 =	vadd.f32 v7, v4  }
0x62: {  	v7 =	vld [tilespmem:s3+$0x12980]  }
0x63: {  	v4 =	vadd.f32 v5, v4  }
0x64: {  	v5 =	vld [tilespmem:s3+$0x12A00]  }
0x65: {  	v4 =	vadd.f32 v6, v4  }
0x66: {  	v6 =	vld [tilespmem:s3+$0x12A80]  }
0x67: {  	v4 =	vadd.f32 v7, v4  }
0x68: {  	v7 =	vld [tilespmem:s3+$0x12B00]  }
0x69: {  	v4 =	vadd.f32 v5, v4  }
0x6a: {  	v5 =	vld [tilespmem:s3+$0x12B80]  }
0x6b: {  	v4 =	vadd.f32 v6, v4  }
0x6c: {  	v6 =	vld [tilespmem:s3+$0x12C00]  }
0x6d: {  	v4 =	vadd.f32 v7, v4  }
0x6e: {  	v7 =	vld [tilespmem:s3+$0x12C80]  }
0x6f: {  	v4 =	vadd.f32 v5, v4;
	_ =	sdelay $0x1  }
0x70: {  	v4 =	vadd.f32 v6, v4;
	_ =	sdelay $0x1  }
0x71: {  	v4 =	vadd.f32 v7, v4;
	_ =	sdelay $0x1  }
0x72: {  	v4 =	vadd.f32 $1.000000000e+00, v4;
	_ =	sdelay $0x1  }
0x73: {  	v5 =	vshra.s32 v4, $0x1;
	v4 =	vmul.f32 $5.000000000e-01, v4  }
0x74: {  	v5 =	vsub.s32 $0x5F3759DF, v5  }
0x75: {  	v6 =	vmul.f32 v5, v4;
	_ =	sdelay $0x1  }
0x76: {  	v6 =	vmul.f32 v5, v6;
	_ =	sdelay $0x1  }
0x77: {  	v6 =	vsub.f32 $1.500000000e+00, v6;
	_ =	sdelay $0x1  }
0x78: {  	v5 =	vmul.f32 v5, v6;
	_ =	sdelay $0x1  }
0x79: {  	v6 =	vmul.f32 v5, v4;
	_ =	sdelay $0x1  }
0x7a: {  	v6 =	vmul.f32 v6, v5;
	_ =	sdelay $0x1  }
0x7b: {  	v6 =	vsub.f32 $1.500000000e+00, v6;
	_ =	sdelay $0x1  }
0x7c: {  	v5 =	vmul.f32 v6, v5;
	_ =	sdelay $0x1  }
0x7d: {  	v4 =	vmul.f32 v5, v4;
	_ =	sdelay $0x1  }
0x7e: {  	v4 =	vmul.f32 v4, v5;
	_ =	sdelay $0x1  }
0x7f: {  	s7 =	simm.s32 $0x80;
	s6 =	simm.s32 $0x10;
	v4 =	vsub.f32 $1.500000000e+00, v4  }
0x80: {  	s13 =	sand.u32 $0x1C00, s7;
	s8 =	sand.u32 $0x70, s6  }
0x81: {  	s22 =	simm.s32 $0x20;
	s8 =	sor.u32 s8, s13;
	v4 =	vmul.f32 v4, v5  }
.LBB2_6:
0x82: {  	p0 =	sne.s32 s22, $0x270;
	s13 =	sadd.s32 $0x11500, s8  }
0x83: {  	v5 =	vld [tilespmem:s13+$0x80];
	[tilespmem:s3+$0x11500] =	vst v4;
	s3 =	smov.u32 s8  }
0x84: {  	v4 =	vld [tilespmem:s3+$0x11500];
	_ =	sdelay $0x1  }
0x85: {  	v6 =	vld [tilespmem:s13+$0x100];
	_ =	sdelay $0x1  }
0x86: {  	v7 =	vld [tilespmem:s13+$0x180]  }
0x87: {  	v4 =	vadd.f32 v5, v4  }
0x88: {  	v5 =	vld [tilespmem:s13+$0x200]  }
0x89: {  	v4 =	vadd.f32 v6, v4  }
0x8a: {  	v6 =	vld [tilespmem:s13+$0x280]  }
0x8b: {  	v4 =	vadd.f32 v7, v4  }
0x8c: {  	s8 =	sor.u32 s7, s6;
	s6 =	smov.u32 s22;
	v7 =	vld [tilespmem:s13+$0x300]  }
0x8d: {  	s8 =	sor.u32 $0x380, s8;
	v4 =	vadd.f32 v5, v4  }
0x8e: {  	v5 =	vld [tilespmem:s8+$0x11500]  }
0x8f: {  	v4 =	vadd.f32 v6, v4  }
0x90: {  	v6 =	vld [tilespmem:s3+$0x12900]  }
0x91: {  	v4 =	vadd.f32 v7, v4  }
0x92: {  	v7 =	vld [tilespmem:s3+$0x12980]  }
0x93: {  	v4 =	vadd.f32 v5, v4  }
0x94: {  	v5 =	vld [tilespmem:s3+$0x12A00]  }
0x95: {  	v4 =	vadd.f32 v6, v4  }
0x96: {  	v6 =	vld [tilespmem:s3+$0x12A80]  }
0x97: {  	v4 =	vadd.f32 v7, v4  }
0x98: {  	v7 =	vld [tilespmem:s3+$0x12B00]  }
0x99: {  	v4 =	vadd.f32 v5, v4  }
0x9a: {  	v5 =	vld [tilespmem:s3+$0x12B80]  }
0x9b: {  	v4 =	vadd.f32 v6, v4  }
0x9c: {  	v6 =	vld [tilespmem:s3+$0x12C00]  }
0x9d: {  	v4 =	vadd.f32 v7, v4  }
0x9e: {  	v7 =	vld [tilespmem:s3+$0x12C80]  }
0x9f: {  	v4 =	vadd.f32 v5, v4;
	_ =	sdelay $0x1  }
0xa0: {  	v4 =	vadd.f32 v6, v4;
	_ =	sdelay $0x1  }
0xa1: {  	v4 =	vadd.f32 v7, v4;
	_ =	sdelay $0x1  }
0xa2: {  	v4 =	vadd.f32 $1.000000000e+00, v4;
	_ =	sdelay $0x1  }
0xa3: {  	v5 =	vshra.s32 v4, $0x1;
	v4 =	vmul.f32 $5.000000000e-01, v4  }
0xa4: {  	v5 =	vsub.s32 $0x5F3759DF, v5  }
0xa5: {  	v6 =	vmul.f32 v5, v4;
	_ =	sdelay $0x1  }
0xa6: {  	v6 =	vmul.f32 v5, v6;
	_ =	sdelay $0x1  }
0xa7: {  	v6 =	vsub.f32 $1.500000000e+00, v6;
	_ =	sdelay $0x1  }
0xa8: {  	v5 =	vmul.f32 v5, v6;
	_ =	sdelay $0x1  }
0xa9: {  	v6 =	vmul.f32 v5, v4;
	_ =	sdelay $0x1  }
0xaa: {  	v6 =	vmul.f32 v6, v5;
	_ =	sdelay $0x1  }
0xab: {  	v6 =	vsub.f32 $1.500000000e+00, v6;
	_ =	sdelay $0x1  }
0xac: {  	v5 =	vmul.f32 v6, v5;
	_ =	sdelay $0x1  }
0xad: {  	v4 =	vmul.f32 v5, v4;
	_ =	sdelay $0x1  }
.Ltmp2:
0xae: {  	v4 =	vmul.f32 v4, v5;
	(pc) =	sbr.rel @p0 .LBB2_6-.Ltmp2, $4  }
0xaf: {  	_ = 	snop  }
0xb0: {  	s7 =	sadd.s32 $0x80, s7;
	v4 =	vsub.f32 $1.500000000e+00, v4  }
0xb1: {  	s13 =	sand.u32 $0x1C00, s7;
	s8 =	sand.u32 $0x70, s22  }
0xb2: {  	s22 =	sadd.s32 $0x10, s22;
	s8 =	sor.u32 s8, s13;
	v4 =	vmul.f32 v4, v5  }
0xb3: {  	s13 =	sadd.s32 $0x11500, s8  }
0xb4: {  	v5 =	vld [tilespmem:s13+$0x80];
	[tilespmem:s3+$0x11500] =	vst v4  }
0xb5: {  	v4 =	vld [tilespmem:s8+$0x11500];
	_ =	sdelay $0x1  }
0xb6: {  	v6 =	vld [tilespmem:s13+$0x100];
	_ =	sdelay $0x1  }
0xb7: {  	v7 =	vld [tilespmem:s13+$0x180]  }
0xb8: {  	v4 =	vadd.f32 v5, v4  }
0xb9: {  	v5 =	vld [tilespmem:s13+$0x200]  }
0xba: {  	v4 =	vadd.f32 v6, v4  }
0xbb: {  	v6 =	vld [tilespmem:s13+$0x280]  }
0xbc: {  	v4 =	vadd.f32 v7, v4  }
0xbd: {  	v7 =	vld [tilespmem:s13+$0x300];
	s13 =	sor.u32 s7, s6  }
0xbe: {  	s3 =	sor.u32 $0x380, s13;
	v4 =	vadd.f32 v5, v4  }
0xbf: {  	v5 =	vld [tilespmem:s3+$0x11500]  }
0xc0: {  	v4 =	vadd.f32 v6, v4  }
0xc1: {  	v6 =	vld [tilespmem:s8+$0x12900]  }
0xc2: {  	v4 =	vadd.f32 v7, v4  }
0xc3: {  	v7 =	vld [tilespmem:s8+$0x12980]  }
0xc4: {  	v4 =	vadd.f32 v5, v4  }
0xc5: {  	v5 =	vld [tilespmem:s8+$0x12A00]  }
0xc6: {  	v4 =	vadd.f32 v6, v4  }
0xc7: {  	v6 =	vld [tilespmem:s8+$0x12A80]  }
0xc8: {  	v4 =	vadd.f32 v7, v4  }
0xc9: {  	v7 =	vld [tilespmem:s8+$0x12B00]  }
0xca: {  	v4 =	vadd.f32 v5, v4  }
0xcb: {  	v5 =	vld [tilespmem:s8+$0x12B80]  }
0xcc: {  	v4 =	vadd.f32 v6, v4  }
0xcd: {  	v6 =	vld [tilespmem:s8+$0x12C00]  }
0xce: {  	v4 =	vadd.f32 v7, v4  }
0xcf: {  	v7 =	vld [tilespmem:s8+$0x12C80]  }
0xd0: {  	v4 =	vadd.f32 v5, v4;
	_ =	sdelay $0x1  }
0xd1: {  	v4 =	vadd.f32 v6, v4;
	_ =	sdelay $0x1  }
0xd2: {  	v4 =	vadd.f32 v7, v4;
	_ =	sdelay $0x1  }
0xd3: {  	v4 =	vadd.f32 $1.000000000e+00, v4;
	_ =	sdelay $0x1  }
0xd4: {  	v5 =	vshra.s32 v4, $0x1;
	v4 =	vmul.f32 $5.000000000e-01, v4  }
0xd5: {  	v5 =	vsub.s32 $0x5F3759DF, v5  }
0xd6: {  	v6 =	vmul.f32 v5, v4;
	_ =	sdelay $0x1  }
0xd7: {  	v6 =	vmul.f32 v5, v6;
	_ =	sdelay $0x1  }
0xd8: {  	v6 =	vsub.f32 $1.500000000e+00, v6;
	_ =	sdelay $0x1  }
0xd9: {  	v5 =	vmul.f32 v5, v6;
	_ =	sdelay $0x1  }
0xda: {  	v6 =	vmul.f32 v5, v4;
	_ =	sdelay $0x1  }
0xdb: {  	v6 =	vmul.f32 v6, v5;
	_ =	sdelay $0x1  }
0xdc: {  	v6 =	vsub.f32 $1.500000000e+00, v6;
	_ =	sdelay $0x1  }
0xdd: {  	v5 =	vmul.f32 v6, v5;
	_ =	sdelay $0x1  }
0xde: {  	v4 =	vmul.f32 v5, v4;
	_ =	sdelay $0x1  }
0xdf: {  	v4 =	vmul.f32 v4, v5;
	_ =	sdelay $0x1  }
0xe0: {  	v4 =	vsub.f32 $1.500000000e+00, v4;
	_ =	sdelay $0x1  }
0xe1: {  	v4 =	vmul.f32 v4, v5;
	_ =	sdelay $0x1  }
0xe2: {  	[tilespmem:s8+$0x11500] =	vst v4  }
0xe3: {  	[spmem:s11] =	stream.linear.scatter [tilespmem:s30], [sflag:$0x3], $0x80, $0x38;
	[tilespmem:$0x16800] =	vst v63  }
0xe4: {  	_ = 	snop  }
0xe5: {  	[spmem:s14] =	stream.linear.scatter [tilespmem:s31], [sflag:$0x3], $0x80, $0x38;
	[tilespmem:$0x16800] =	vst v63  }
0xe6: {  	_ = 	snop  }
0xe7: {  	[spmem:s15] =	stream.linear.scatter [tilespmem:s0], [sflag:$0x3], $0x80, $0x38;
	[tilespmem:$0x16800] =	vst v63  }
0xe8: {  	_ = 	snop  }
0xe9: {  	[spmem:s16] =	stream.linear.scatter [tilespmem:s2], [sflag:$0x3], $0x80, $0x38;
	[tilespmem:$0x16800] =	vst v63  }
0xea: {  	_ = 	snop  }
0xeb: {  	[spmem:s17] =	stream.linear.scatter [tilespmem:s1], [sflag:$0x3], $0x80, $0x38;
	[tilespmem:$0x16800] =	vst v63  }
0xec: {  	_ =	swait.ge [sflag:s26], $0x280  }
0xed: {  	[sflag:s26] =	ssyncset.done $0x0  }
0xee: {  	[sflag:s26] =	ssyncadd.s32 $0xFFFFFD80  }
0xef: {  	[bflag:$0x0] =	sbarrier.arrive $0xFFFF  }
0xf0: {  	s23 =	simm.s32 $0xED00;
	s22 =	rddreg [dreg:$0x3]  }
0xf1: {  	[tilespmem:s23], [sflag:$0x3] =	stream.linear.gather [spmem:s22], $0x2800, $0x38;
	[tilespmem:$0x16800] =	vst v63  }
0xf2: {  	_ =	swait.ge [sflag:s26], $0x2800  }
0xf3: {  	[sflag:s26] =	ssyncset.done $0x0  }
0xf4: {  	[sflag:s26] =	ssyncadd.s32 $0xFFFFD800  }
0xf5: {  	_ =	swait.ge [sflag:s20], $0x4E20  }
0xf6: {  	[sflag:s20] =	ssyncset.done $0x0  }
0xf7: {  	[sflag:s20] =	ssyncadd.s32 $0xFFFFB1E0  }
0xf8: {  	_ =	swait.ge [sflag:s20], $0x2800  }
0xf9: {  	[sflag:s20] =	ssyncset.done $0x0  }
0xfa: {  	[sflag:s20] =	ssyncadd.s32 $0xFFFFD800  }
0xfb: {  	_ =	swait.ge [sflag:s20], $0x80  }
0xfc: {  	[sflag:s20] =	ssyncset.done $0x0  }
0xfd: {  	s3 =	simm.s32 $0x0;
	[sflag:s20] =	ssyncadd.s32 $0xFFFFFF80  }
0xfe: {  	v11 =	vld [tilespmem:s3+$0xED00]  }
0xff: {  	v15 =	vld [tilespmem:s3+$0xED10]  }
0x100: {  	v9 =	vld [tilespmem:s3+$0xED20]  }
0x101: {  	v8 =	vld [tilespmem:s3+$0xED30]  }
0x102: {  	v7 =	vld [tilespmem:s3+$0xED40]  }
0x103: {  	v6 =	vld [tilespmem:s3+$0xED50]  }
0x104: {  	v5 =	vld [tilespmem:s3+$0xED60]  }
0x105: {  	v4 =	vld [tilespmem:s3+$0xED70]  }
0x106: {  	v16 =	vld [tilespmem:s3+$0xC500]  }
0x107: {  	v17 =	vld [tilespmem:s3+$0xC510]  }
0x108: {  	v14 =	vld [tilespmem:s3+$0xC520]  }
0x109: {  	v13 =	vld [tilespmem:s3+$0xC530]  }
0x10a: {  	v12 =	vld [tilespmem:s3+$0xC540]  }
0x10b: {  	v10 =	vld [tilespmem:s3+$0xC550];
	v16 =	vmul.f32 v11, v16  }
0x10c: {  	s6 =	simm.s32 $0x200;
	v15 =	vmul.f32 v15, v17;
	v11 =	vld [tilespmem:s3+$0xC560]  }
.LBB2_8:
0x10d: {  	s7 =	sshra.s32 s6, $0x2;
	p0 =	sne.s32 s6, $0x9E00;
	[tilespmem:s3+$0xC500] =	vst v16;
	v9 =	vmul.f32 v9, v14;
	v14 =	vld [tilespmem:s3+$0xC570]  }
0x10e: {  	v16 =	vld [tilespmem:s7+$0xED00];
	[tilespmem:s3+$0xC510] =	vst v15;
	v8 =	vmul.f32 v8, v13  }
0x10f: {  	v15 =	vld [tilespmem:s7+$0xED10];
	[tilespmem:s3+$0xC520] =	vst v9;
	v7 =	vmul.f32 v7, v12  }
0x110: {  	v9 =	vld [tilespmem:s7+$0xED20];
	[tilespmem:s3+$0xC530] =	vst v8;
	v6 =	vmul.f32 v6, v10  }
0x111: {  	v8 =	vld [tilespmem:s7+$0xED30];
	[tilespmem:s3+$0xC540] =	vst v7;
	v5 =	vmul.f32 v5, v11  }
0x112: {  	v7 =	vld [tilespmem:s7+$0xED40];
	[tilespmem:s3+$0xC550] =	vst v6;
	v4 =	vmul.f32 v4, v14  }
0x113: {  	v6 =	vld [tilespmem:s7+$0xED50];
	[tilespmem:s3+$0xC560] =	vst v5  }
0x114: {  	v5 =	vld [tilespmem:s7+$0xED60];
	[tilespmem:s3+$0xC570] =	vst v4;
	s3 =	smov.u32 s7  }
0x115: {  	v4 =	vld [tilespmem:s3+$0xED70]  }
0x116: {  	v10 =	vld [tilespmem:s3+$0xC500]  }
0x117: {  	v11 =	vld [tilespmem:s3+$0xC510]  }
.Ltmp3:
0x118: {  	v14 =	vld [tilespmem:s3+$0xC520];
	(pc) =	sbr.rel @p0 .LBB2_8-.Ltmp3, $4  }
0x119: {  	v13 =	vld [tilespmem:s3+$0xC530]  }
0x11a: {  	v12 =	vld [tilespmem:s3+$0xC540]  }
0x11b: {  	v16 =	vmul.f32 v16, v10;
	v10 =	vld [tilespmem:s3+$0xC550]  }
0x11c: {  	s6 =	sadd.s32 $0x200, s6;
	v15 =	vmul.f32 v15, v11;
	v11 =	vld [tilespmem:s3+$0xC560]  }
0x11d: {  	[tilespmem:s3+$0xC500] =	vst v16;
	v9 =	vmul.f32 v9, v14;
	v63 =	vld [tilespmem:s3+$0xC570]  }
0x11e: {  	[tilespmem:s3+$0xC510] =	vst v15;
	v8 =	vmul.f32 v8, v13  }
0x11f: {  	[tilespmem:s3+$0xC520] =	vst v9;
	v7 =	vmul.f32 v7, v12  }
0x120: {  	[tilespmem:s3+$0xC530] =	vst v8;
	v6 =	vmul.f32 v6, v10  }
0x121: {  	[tilespmem:s3+$0xC540] =	vst v7;
	v5 =	vmul.f32 v5, v11  }
0x122: {  	[tilespmem:s3+$0xC550] =	vst v6;
	v4 =	vmul.f32 v4, v63  }
0x123: {  	[tilespmem:s3+$0xC560] =	vst v5  }
0x124: {  	s6 =	simm.s32 $0x0;
	[tilespmem:s3+$0xC570] =	vst v4  }
0x125: {  	s7 =	simm.s32 $0x200;
	s3 =	simm.s32 $0x0;
	[bflag:$0x0] =	sbarrier.arrive $0xFFFF  }
.LBB2_10:
0x126: {  	p0 =	sne.s32 s7, $0x9E00;
	[tilespmem:s6+$0x9D70] =	vst v1  }
0x127: {  	[tilespmem:s6+$0x9D00] =	vst v1  }
0x128: {  	[tilespmem:s6+$0x9D10] =	vst v1  }
.Ltmp4:
0x129: {  	[tilespmem:s6+$0x9D20] =	vst v1;
	(pc) =	sbr.rel @p0 .LBB2_10-.Ltmp4, $4  }
0x12a: {  	[tilespmem:s6+$0x9D30] =	vst v1  }
0x12b: {  	[tilespmem:s6+$0x9D40] =	vst v1  }
0x12c: {  	[tilespmem:s6+$0x9D50] =	vst v1  }
0x12d: {  	[tilespmem:s6+$0x9D60] =	vst v1;
	s6 =	sshra.s32 s7, $0x2;
	s7 =	sadd.s32 $0x200, s7  }
0x12e: {  	[tilespmem:s6+$0x9D70] =	vst v1  }
0x12f: {  	[tilespmem:s6+$0x9D00] =	vst v1  }
0x130: {  	[tilespmem:s6+$0x9D10] =	vst v1  }
0x131: {  	[tilespmem:s6+$0x9D20] =	vst v1  }
0x132: {  	[tilespmem:s6+$0x9D30] =	vst v1  }
0x133: {  	[tilespmem:s6+$0x9D40] =	vst v1  }
0x134: {  	[tilespmem:s6+$0x9D50] =	vst v1  }
0x135: {  	[tilespmem:s6+$0x9D60] =	vst v1;
	s6 =	simm.s32 $0x4ED0;
	s7 =	simm.s32 $0x50  }
.LBB2_12:
0x136: {  	v4 =	vld [tilespmem:s7+$0xFFFFFFB0];
	_ =	sdelay $0x4  }
0x137: {  	v5 =	vld [tilespmem:s6+$0xFFFFFFB0];
	_ =	sdelay $0x2  }
0x138: {  	v4 =	vld.idx.msk [tilespmem:v4+s21+$0x0], $0xffff;
	_ =	sdelay $0x4  }
0x139: {  	[tilespmem:v5+s24+$0x0] =	vst.idx.add.f32.msk $0xffff, v4  }
0x13a: {  	v4 =	vld [tilespmem:s7+$0xFFFFFFC0];
	_ =	sdelay $0x4  }
0x13b: {  	v5 =	vld [tilespmem:s6+$0xFFFFFFC0];
	_ =	sdelay $0x2  }
0x13c: {  	v4 =	vld.idx.msk [tilespmem:v4+s21+$0x0], $0xffff;
	_ =	sdelay $0x4  }
0x13d: {  	[tilespmem:v5+s24+$0x0] =	vst.idx.add.f32.msk $0xffff, v4  }
0x13e: {  	v4 =	vld [tilespmem:s7+$0xFFFFFFD0];
	_ =	sdelay $0x4  }
0x13f: {  	v5 =	vld [tilespmem:s6+$0xFFFFFFD0];
	_ =	sdelay $0x2  }
0x140: {  	v4 =	vld.idx.msk [tilespmem:v4+s21+$0x0], $0xffff;
	_ =	sdelay $0x4  }
0x141: {  	[tilespmem:v5+s24+$0x0] =	vst.idx.add.f32.msk $0xffff, v4  }
0x142: {  	v4 =	vld [tilespmem:s7+$0xFFFFFFE0];
	_ =	sdelay $0x4  }
0x143: {  	v5 =	vld [tilespmem:s6+$0xFFFFFFE0];
	_ =	sdelay $0x2  }
0x144: {  	v4 =	vld.idx.msk [tilespmem:v4+s21+$0x0], $0xffff;
	_ =	sdelay $0x4  }
0x145: {  	[tilespmem:v5+s24+$0x0] =	vst.idx.add.f32.msk $0xffff, v4  }
0x146: {  	v4 =	vld [tilespmem:s7+$0xFFFFFFF0];
	_ =	sdelay $0x4  }
0x147: {  	v5 =	vld [tilespmem:s6+$0xFFFFFFF0];
	_ =	sdelay $0x2  }
0x148: {  	v4 =	vld.idx.msk [tilespmem:v4+s21+$0x0], $0xffff;
	_ =	sdelay $0x4  }
0x149: {  	[tilespmem:v5+s24+$0x0] =	vst.idx.add.f32.msk $0xffff, v4  }
0x14a: {  	v4 =	vld [tilespmem:s7+$0x0];
	_ =	sdelay $0x4  }
0x14b: {  	v5 =	vld [tilespmem:s6+$0x0];
	_ =	sdelay $0x2  }
0x14c: {  	v4 =	vld.idx.msk [tilespmem:v4+s21+$0x0], $0xffff;
	_ =	sdelay $0x4  }
0x14d: {  	[tilespmem:v5+s24+$0x0] =	vst.idx.add.f32.msk $0xffff, v4  }
0x14e: {  	v4 =	vld [tilespmem:s7+$0x10];
	_ =	sdelay $0x4  }
0x14f: {  	v5 =	vld [tilespmem:s6+$0x10];
	_ =	sdelay $0x2  }
0x150: {  	v4 =	vld.idx.msk [tilespmem:v4+s21+$0x0], $0xffff;
	_ =	sdelay $0x4  }
0x151: {  	[tilespmem:v5+s24+$0x0] =	vst.idx.add.f32.msk $0xffff, v4  }
0x152: {  	v4 =	vld [tilespmem:s7+$0x20];
	_ =	sdelay $0x4  }
0x153: {  	v5 =	vld [tilespmem:s6+$0x20];
	_ =	sdelay $0x2  }
0x154: {  	v4 =	vld.idx.msk [tilespmem:v4+s21+$0x0], $0xffff;
	_ =	sdelay $0x4  }
0x155: {  	s8 =	sand.u32 $0x7FE0, s3;
	[tilespmem:v5+s24+$0x0] =	vst.idx.add.f32.msk $0xffff, v4  }
0x156: {  	v4 =	vld [tilespmem:s8+$0x80];
	_ =	sdelay $0x4  }
0x157: {  	v5 =	vld [tilespmem:s8+$0x4F00];
	_ =	sdelay $0x2  }
0x158: {  	v4 =	vld.idx.msk [tilespmem:v4+s21+$0x0], $0xffff;
	_ =	sdelay $0x4  }
0x159: {  	[tilespmem:v5+s24+$0x0] =	vst.idx.add.f32.msk $0xffff, v4  }
0x15a: {  	v4 =	vld [tilespmem:s7+$0x40];
	_ =	sdelay $0x4  }
0x15b: {  	v5 =	vld [tilespmem:s6+$0x40];
	_ =	sdelay $0x2  }
0x15c: {  	p0 =	sne.s32 s3, $0x4D80;
	v4 =	vld.idx.msk [tilespmem:v4+s21+$0x0], $0xffff  }
.Ltmp5:
0x15d: {  	_ = 	snop;
	(pc) =	sbr.rel @p0 .LBB2_12-.Ltmp5, $2  }
0x15e: {  	_ =	sdelay $0x2  }
0x15f: {  	s3 =	sadd.s32 $0xA0, s3;
	s6 =	sadd.s32 $0xA0, s6;
	s7 =	sadd.s32 $0xA0, s7;
	[tilespmem:v5+s24+$0x0] =	vst.idx.add.f32.msk $0xffff, v4  }
0x160: {  	[spmem:s9] =	stream.strided.scatter [tilespmem:s24], [sflag:$0x3], $0x2800, s25, s19, $0x38;
	[tilespmem:$0x16800] =	vst v63  }
0x161: {  	_ =	swait.ge [sflag:s26], $0x2800  }
0x162: {  	[sflag:s26] =	ssyncset.done $0x0  }
0x163: {  	[sflag:s26] =	ssyncadd.s32 $0xFFFFD800  }
0x164: {  	s6 =	simm.s32 $0x0;
	[bflag:$0x0] =	sbarrier.arrive $0xFFFF  }
0x165: {  	[tilespmem:s30], [sflag:$0x3] =	stream.strided.gather [spmem:s10], $0x2800, s29, s28, $0x38;
	[tilespmem:$0x16800] =	vst v63  }
0x166: {  	s7 =	sand.u32 $0x70, s6;
	s3 =	sand.u32 $0x1C00, s6;
	_ =	swait.ge [sflag:s26], $0x2800  }
0x167: {  	s3 =	sor.u32 s7, s3;
	[sflag:s26] =	ssyncset.done $0x0  }
0x168: {  	s8 =	sadd.s32 $0x11500, s3;
	[sflag:s26] =	ssyncadd.s32 $0xFFFFD800  }
0x169: {  	v4 =	vld [tilespmem:s8+$0x80]  }
0x16a: {  	v5 =	vld [tilespmem:s3+$0x11500];
	_ =	sdelay $0x1  }
0x16b: {  	v6 =	vld [tilespmem:s8+$0x100];
	_ =	sdelay $0x1  }
0x16c: {  	v7 =	vld [tilespmem:s8+$0x180]  }
0x16d: {  	v4 =	vadd.f32 v4, v5  }
0x16e: {  	v5 =	vld [tilespmem:s8+$0x200]  }
0x16f: {  	v4 =	vadd.f32 v6, v4  }
0x170: {  	v6 =	vld [tilespmem:s8+$0x280]  }
0x171: {  	v4 =	vadd.f32 v7, v4  }
0x172: {  	s6 =	sor.u32 s6, s6;
	v7 =	vld [tilespmem:s8+$0x300]  }
0x173: {  	s6 =	sor.u32 $0x380, s6;
	v4 =	vadd.f32 v5, v4  }
0x174: {  	v5 =	vld [tilespmem:s6+$0x11500]  }
0x175: {  	v4 =	vadd.f32 v6, v4  }
0x176: {  	v6 =	vld [tilespmem:s3+$0x12900]  }
0x177: {  	v4 =	vadd.f32 v7, v4  }
0x178: {  	v7 =	vld [tilespmem:s3+$0x12980]  }
0x179: {  	v4 =	vadd.f32 v5, v4  }
0x17a: {  	v5 =	vld [tilespmem:s3+$0x12A00]  }
0x17b: {  	v4 =	vadd.f32 v6, v4  }
0x17c: {  	v6 =	vld [tilespmem:s3+$0x12A80]  }
0x17d: {  	v4 =	vadd.f32 v7, v4  }
0x17e: {  	v7 =	vld [tilespmem:s3+$0x12B00]  }
0x17f: {  	v4 =	vadd.f32 v5, v4  }
0x180: {  	v5 =	vld [tilespmem:s3+$0x12B80]  }
0x181: {  	v4 =	vadd.f32 v6, v4  }
0x182: {  	v6 =	vld [tilespmem:s3+$0x12C00]  }
0x183: {  	s22 =	sadd.s32 $0x0, s5;
	v4 =	vadd.f32 v7, v4  }
0x184: {  	s6 =	sand.u32 $0x7F80, s22;
	v7 =	vld [tilespmem:s3+$0x12C80]  }
0x185: {  	s6 =	sor.u32 s7, s6;
	v4 =	vadd.f32 v5, v4  }
0x186: {  	v5 =	vld [tilespmem:s6+$0xC500]  }
0x187: {  	v4 =	vadd.f32 v6, v4  }
0x188: {  	v6 =	vld [tilespmem:s6+$0xED00]  }
0x189: {  	v7 =	vadd.f32 v7, v4  }
0x18a: {  	v4 =	vld.idx.msk [tilespmem:v3+s21+$0x0], $0xffff  }
0x18b: {  	v5 =	vadd.f32 v5, v7;
	_ =	sdelay $0x1  }
0x18c: {  	v5 =	vmul.f32 v5, v6;
	_ =	sdelay $0x1  }
0x18d: {  	s7 =	simm.s32 $0x80;
	s6 =	simm.s32 $0x10;
	v5 =	vadd.f32 v5, v4  }
0x18e: {  	s23 =	sand.u32 $0x1C00, s7;
	s22 =	sand.u32 $0x70, s6  }
0x18f: {  	s8 =	simm.s32 $0x20;
	s13 =	sor.u32 s22, s23;
	v5 =	vmul.f32 v5, v6  }
.LBB2_14:
0x190: {  	p0 =	sne.s32 s8, $0x270;
	s23 =	sadd.s32 $0x11500, s13  }
0x191: {  	v6 =	vld [tilespmem:s23+$0x80];
	[tilespmem:s3+$0x11500] =	vst v5;
	s3 =	smov.u32 s13  }
0x192: {  	v5 =	vld [tilespmem:s3+$0x11500];
	_ =	sdelay $0x1  }
0x193: {  	v7 =	vld [tilespmem:s23+$0x100];
	_ =	sdelay $0x1  }
0x194: {  	v8 =	vld [tilespmem:s23+$0x180]  }
0x195: {  	v5 =	vadd.f32 v6, v5  }
0x196: {  	v6 =	vld [tilespmem:s23+$0x200]  }
0x197: {  	v5 =	vadd.f32 v7, v5  }
0x198: {  	v7 =	vld [tilespmem:s23+$0x280]  }
0x199: {  	v5 =	vadd.f32 v8, v5  }
0x19a: {  	s13 =	sor.u32 s7, s6;
	v8 =	vld [tilespmem:s23+$0x300]  }
0x19b: {  	s13 =	sor.u32 $0x380, s13;
	v5 =	vadd.f32 v6, v5  }
0x19c: {  	v6 =	vld [tilespmem:s13+$0x11500]  }
0x19d: {  	v5 =	vadd.f32 v7, v5  }
0x19e: {  	v7 =	vld [tilespmem:s3+$0x12900]  }
0x19f: {  	v5 =	vadd.f32 v8, v5  }
0x1a0: {  	v8 =	vld [tilespmem:s3+$0x12980]  }
0x1a1: {  	v5 =	vadd.f32 v6, v5  }
0x1a2: {  	v6 =	vld [tilespmem:s3+$0x12A00]  }
0x1a3: {  	v5 =	vadd.f32 v7, v5  }
0x1a4: {  	v7 =	vld [tilespmem:s3+$0x12A80]  }
0x1a5: {  	v5 =	vadd.f32 v8, v5  }
0x1a6: {  	v8 =	vld [tilespmem:s3+$0x12B00]  }
0x1a7: {  	v5 =	vadd.f32 v6, v5  }
0x1a8: {  	v6 =	vld [tilespmem:s3+$0x12B80]  }
0x1a9: {  	v5 =	vadd.f32 v7, v5  }
0x1aa: {  	v7 =	vld [tilespmem:s3+$0x12C00]  }
0x1ab: {  	s13 =	sadd.s32 s6, s5;
	s6 =	smov.u32 s8;
	v5 =	vadd.f32 v8, v5  }
0x1ac: {  	s13 =	sand.u32 $0x7F80, s13;
	v8 =	vld [tilespmem:s3+$0x12C80]  }
0x1ad: {  	s13 =	sor.u32 s22, s13;
	v5 =	vadd.f32 v6, v5  }
0x1ae: {  	v6 =	vld [tilespmem:s13+$0xC500]  }
0x1af: {  	v5 =	vadd.f32 v7, v5  }
0x1b0: {  	v7 =	vld [tilespmem:s13+$0xED00]  }
0x1b1: {  	v5 =	vadd.f32 v8, v5;
	_ =	sdelay $0x1  }
0x1b2: {  	v5 =	vadd.f32 v6, v5;
	_ =	sdelay $0x1  }
.Ltmp6:
0x1b3: {  	v5 =	vmul.f32 v5, v7;
	(pc) =	sbr.rel @p0 .LBB2_14-.Ltmp6, $4  }
0x1b4: {  	_ = 	snop  }
0x1b5: {  	s7 =	sadd.s32 $0x80, s7;
	v5 =	vadd.f32 v5, v4  }
0x1b6: {  	s22 =	sand.u32 $0x70, s8;
	s13 =	sand.u32 $0x1C00, s7  }
0x1b7: {  	s8 =	sadd.s32 $0x10, s8;
	s13 =	sor.u32 s22, s13;
	v5 =	vmul.f32 v5, v7  }
0x1b8: {  	s8 =	sadd.s32 $0x11500, s13  }
0x1b9: {  	v6 =	vld [tilespmem:s8+$0x80];
	[tilespmem:s3+$0x11500] =	vst v5  }
0x1ba: {  	v5 =	vld [tilespmem:s13+$0x11500];
	_ =	sdelay $0x1  }
0x1bb: {  	v7 =	vld [tilespmem:s8+$0x100];
	_ =	sdelay $0x1  }
0x1bc: {  	v8 =	vld [tilespmem:s8+$0x180]  }
0x1bd: {  	v5 =	vadd.f32 v6, v5  }
0x1be: {  	v50 =	vld [tilespmem:s8+$0x200]  }
0x1bf: {  	v5 =	vadd.f32 v7, v5  }
0x1c0: {  	v51 =	vld [tilespmem:s8+$0x280]  }
0x1c1: {  	v5 =	vadd.f32 v8, v5  }
0x1c2: {  	s7 =	sor.u32 s7, s6;
	v52 =	vld [tilespmem:s8+$0x300]  }
0x1c3: {  	s3 =	sor.u32 $0x380, s7;
	v5 =	vadd.f32 v50, v5  }
0x1c4: {  	v53 =	vld [tilespmem:s3+$0x11500]  }
0x1c5: {  	v5 =	vadd.f32 v51, v5  }
0x1c6: {  	v54 =	vld [tilespmem:s13+$0x12900]  }
0x1c7: {  	v5 =	vadd.f32 v52, v5  }
0x1c8: {  	v55 =	vld [tilespmem:s13+$0x12980]  }
0x1c9: {  	v5 =	vadd.f32 v53, v5  }
0x1ca: {  	v56 =	vld [tilespmem:s13+$0x12A00]  }
0x1cb: {  	v5 =	vadd.f32 v54, v5  }
0x1cc: {  	v57 =	vld [tilespmem:s13+$0x12A80]  }
0x1cd: {  	v5 =	vadd.f32 v55, v5  }
0x1ce: {  	v58 =	vld [tilespmem:s13+$0x12B00]  }
0x1cf: {  	v5 =	vadd.f32 v56, v5  }
0x1d0: {  	v59 =	vld [tilespmem:s13+$0x12B80]  }
0x1d1: {  	v5 =	vadd.f32 v57, v5  }
0x1d2: {  	v60 =	vld [tilespmem:s13+$0x12C00]  }
0x1d3: {  	s8 =	sadd.s32 s6, s5;
	v5 =	vadd.f32 v58, v5  }
0x1d4: {  	s3 =	sand.u32 $0x7F80, s8;
	v61 =	vld [tilespmem:s13+$0x12C80]  }
0x1d5: {  	s3 =	sor.u32 s22, s3;
	v5 =	vadd.f32 v59, v5  }
0x1d6: {  	v62 =	vld [tilespmem:s3+$0xC500]  }
0x1d7: {  	v5 =	vadd.f32 v60, v5  }
0x1d8: {  	v63 =	vld [tilespmem:s3+$0xED00]  }
0x1d9: {  	v5 =	vadd.f32 v61, v5;
	_ =	sdelay $0x1  }
0x1da: {  	v5 =	vadd.f32 v62, v5;
	_ =	sdelay $0x1  }
0x1db: {  	v5 =	vmul.f32 v5, v63;
	_ =	sdelay $0x1  }
0x1dc: {  	v4 =	vadd.f32 v5, v4;
	_ =	sdelay $0x1  }
0x1dd: {  	v4 =	vmul.f32 v4, v63;
	_ =	sdelay $0x1  }
0x1de: {  	[tilespmem:s13+$0x11500] =	vst v4  }
0x1df: {  	[spmem:s11] =	stream.linear.scatter [tilespmem:s30], [sflag:$0x3], $0x80, $0x38;
	[tilespmem:$0x16800] =	vst v63  }
0x1e0: {  	_ = 	snop  }
0x1e1: {  	[spmem:s14] =	stream.linear.scatter [tilespmem:s31], [sflag:$0x3], $0x80, $0x38;
	[tilespmem:$0x16800] =	vst v63  }
0x1e2: {  	_ = 	snop  }
0x1e3: {  	[spmem:s15] =	stream.linear.scatter [tilespmem:s0], [sflag:$0x3], $0x80, $0x38;
	[tilespmem:$0x16800] =	vst v63  }
0x1e4: {  	_ = 	snop  }
0x1e5: {  	[spmem:s16] =	stream.linear.scatter [tilespmem:s2], [sflag:$0x3], $0x80, $0x38;
	[tilespmem:$0x16800] =	vst v63  }
0x1e6: {  	_ = 	snop  }
0x1e7: {  	[spmem:s17] =	stream.linear.scatter [tilespmem:s1], [sflag:$0x3], $0x80, $0x38;
	[tilespmem:$0x16800] =	vst v63  }
0x1e8: {  	_ =	swait.ge [sflag:s26], $0x280  }
0x1e9: {  	[sflag:s26] =	ssyncset.done $0x0  }
0x1ea: {  	[sflag:s26] =	ssyncadd.s32 $0xFFFFFD80  }
0x1eb: {  	[bflag:$0x0] =	sbarrier.arrive $0xFFFF  }
0x1ec: {  	s23 =	rddreg [dreg:$0x3]  }
0x1ed: {  	[tilespmem:s21], [sflag:$0x3] =	stream.linear.gather [spmem:s23], $0x2800, $0x38;
	[tilespmem:$0x16800] =	vst v63  }
0x1ee: {  	_ =	swait.ge [sflag:s26], $0x2800  }
0x1ef: {  	[sflag:s26] =	ssyncset.done $0x0  }
0x1f0: {  	s6 =	simm.s32 $0x0;
	[sflag:s26] =	ssyncadd.s32 $0xFFFFD800  }
0x1f1: {  	s7 =	simm.s32 $0x200;
	s3 =	simm.s32 $0x0;
	[bflag:$0x0] =	sbarrier.arrive $0xFFFF  }
.LBB2_16:
0x1f2: {  	p0 =	sne.s32 s7, $0x9E00;
	[tilespmem:s6+$0x9D70] =	vst v1  }
0x1f3: {  	[tilespmem:s6+$0x9D00] =	vst v1  }
0x1f4: {  	[tilespmem:s6+$0x9D10] =	vst v1  }
.Ltmp7:
0x1f5: {  	[tilespmem:s6+$0x9D20] =	vst v1;
	(pc) =	sbr.rel @p0 .LBB2_16-.Ltmp7, $4  }
0x1f6: {  	[tilespmem:s6+$0x9D30] =	vst v1  }
0x1f7: {  	[tilespmem:s6+$0x9D40] =	vst v1  }
0x1f8: {  	[tilespmem:s6+$0x9D50] =	vst v1  }
0x1f9: {  	[tilespmem:s6+$0x9D60] =	vst v1;
	s6 =	sshra.s32 s7, $0x2;
	s7 =	sadd.s32 $0x200, s7  }
0x1fa: {  	[tilespmem:s6+$0x9D70] =	vst v1  }
0x1fb: {  	[tilespmem:s6+$0x9D00] =	vst v1  }
0x1fc: {  	[tilespmem:s6+$0x9D10] =	vst v1  }
0x1fd: {  	[tilespmem:s6+$0x9D20] =	vst v1  }
0x1fe: {  	[tilespmem:s6+$0x9D30] =	vst v1  }
0x1ff: {  	[tilespmem:s6+$0x9D40] =	vst v1  }
0x200: {  	[tilespmem:s6+$0x9D50] =	vst v1  }
0x201: {  	[tilespmem:s6+$0x9D60] =	vst v1;
	s6 =	simm.s32 $0x4ED0;
	s7 =	simm.s32 $0x50  }
.LBB2_18:
0x202: {  	v4 =	vld [tilespmem:s7+$0xFFFFFFB0];
	_ =	sdelay $0x4  }
0x203: {  	v5 =	vld [tilespmem:s6+$0xFFFFFFB0];
	_ =	sdelay $0x2  }
0x204: {  	v4 =	vld.idx.msk [tilespmem:v4+s21+$0x0], $0xffff;
	_ =	sdelay $0x4  }
0x205: {  	[tilespmem:v5+s24+$0x0] =	vst.idx.add.f32.msk $0xffff, v4  }
0x206: {  	v4 =	vld [tilespmem:s7+$0xFFFFFFC0];
	_ =	sdelay $0x4  }
0x207: {  	v5 =	vld [tilespmem:s6+$0xFFFFFFC0];
	_ =	sdelay $0x2  }
0x208: {  	v4 =	vld.idx.msk [tilespmem:v4+s21+$0x0], $0xffff;
	_ =	sdelay $0x4  }
0x209: {  	[tilespmem:v5+s24+$0x0] =	vst.idx.add.f32.msk $0xffff, v4  }
0x20a: {  	v4 =	vld [tilespmem:s7+$0xFFFFFFD0];
	_ =	sdelay $0x4  }
0x20b: {  	v5 =	vld [tilespmem:s6+$0xFFFFFFD0];
	_ =	sdelay $0x2  }
0x20c: {  	v4 =	vld.idx.msk [tilespmem:v4+s21+$0x0], $0xffff;
	_ =	sdelay $0x4  }
0x20d: {  	[tilespmem:v5+s24+$0x0] =	vst.idx.add.f32.msk $0xffff, v4  }
0x20e: {  	v4 =	vld [tilespmem:s7+$0xFFFFFFE0];
	_ =	sdelay $0x4  }
0x20f: {  	v5 =	vld [tilespmem:s6+$0xFFFFFFE0];
	_ =	sdelay $0x2  }
0x210: {  	v4 =	vld.idx.msk [tilespmem:v4+s21+$0x0], $0xffff;
	_ =	sdelay $0x4  }
0x211: {  	[tilespmem:v5+s24+$0x0] =	vst.idx.add.f32.msk $0xffff, v4  }
0x212: {  	v4 =	vld [tilespmem:s7+$0xFFFFFFF0];
	_ =	sdelay $0x4  }
0x213: {  	v5 =	vld [tilespmem:s6+$0xFFFFFFF0];
	_ =	sdelay $0x2  }
0x214: {  	v4 =	vld.idx.msk [tilespmem:v4+s21+$0x0], $0xffff;
	_ =	sdelay $0x4  }
0x215: {  	[tilespmem:v5+s24+$0x0] =	vst.idx.add.f32.msk $0xffff, v4  }
0x216: {  	v4 =	vld [tilespmem:s7+$0x0];
	_ =	sdelay $0x4  }
0x217: {  	v5 =	vld [tilespmem:s6+$0x0];
	_ =	sdelay $0x2  }
0x218: {  	v4 =	vld.idx.msk [tilespmem:v4+s21+$0x0], $0xffff;
	_ =	sdelay $0x4  }
0x219: {  	[tilespmem:v5+s24+$0x0] =	vst.idx.add.f32.msk $0xffff, v4  }
0x21a: {  	v4 =	vld [tilespmem:s7+$0x10];
	_ =	sdelay $0x4  }
0x21b: {  	v5 =	vld [tilespmem:s6+$0x10];
	_ =	sdelay $0x2  }
0x21c: {  	v4 =	vld.idx.msk [tilespmem:v4+s21+$0x0], $0xffff;
	_ =	sdelay $0x4  }
0x21d: {  	[tilespmem:v5+s24+$0x0] =	vst.idx.add.f32.msk $0xffff, v4  }
0x21e: {  	v4 =	vld [tilespmem:s7+$0x20];
	_ =	sdelay $0x4  }
0x21f: {  	v5 =	vld [tilespmem:s6+$0x20];
	_ =	sdelay $0x2  }
0x220: {  	v4 =	vld.idx.msk [tilespmem:v4+s21+$0x0], $0xffff;
	_ =	sdelay $0x4  }
0x221: {  	s8 =	sand.u32 $0x7FE0, s3;
	[tilespmem:v5+s24+$0x0] =	vst.idx.add.f32.msk $0xffff, v4  }
0x222: {  	v4 =	vld [tilespmem:s8+$0x80];
	_ =	sdelay $0x4  }
0x223: {  	v5 =	vld [tilespmem:s8+$0x4F00];
	_ =	sdelay $0x2  }
0x224: {  	v4 =	vld.idx.msk [tilespmem:v4+s21+$0x0], $0xffff;
	_ =	sdelay $0x4  }
0x225: {  	[tilespmem:v5+s24+$0x0] =	vst.idx.add.f32.msk $0xffff, v4  }
0x226: {  	v4 =	vld [tilespmem:s7+$0x40];
	_ =	sdelay $0x4  }
0x227: {  	v5 =	vld [tilespmem:s6+$0x40];
	_ =	sdelay $0x2  }
0x228: {  	p0 =	sne.s32 s3, $0x4D80;
	v4 =	vld.idx.msk [tilespmem:v4+s21+$0x0], $0xffff  }
.Ltmp8:
0x229: {  	_ = 	snop;
	(pc) =	sbr.rel @p0 .LBB2_18-.Ltmp8, $2  }
0x22a: {  	_ =	sdelay $0x2  }
0x22b: {  	s3 =	sadd.s32 $0xA0, s3;
	s6 =	sadd.s32 $0xA0, s6;
	s7 =	sadd.s32 $0xA0, s7;
	[tilespmem:v5+s24+$0x0] =	vst.idx.add.f32.msk $0xffff, v4  }
0x22c: {  	[spmem:s9] =	stream.strided.scatter [tilespmem:s24], [sflag:$0x3], $0x2800, s25, s19, $0x38;
	[tilespmem:$0x16800] =	vst v63  }
0x22d: {  	_ =	swait.ge [sflag:s26], $0x2800  }
0x22e: {  	[sflag:s26] =	ssyncset.done $0x0  }
0x22f: {  	[sflag:s26] =	ssyncadd.s32 $0xFFFFD800  }
0x230: {  	s6 =	simm.s32 $0x0;
	[bflag:$0x0] =	sbarrier.arrive $0xFFFF  }
0x231: {  	[tilespmem:s30], [sflag:$0x3] =	stream.strided.gather [spmem:s10], $0x2800, s29, s28, $0x38;
	[tilespmem:$0x16800] =	vst v63  }
0x232: {  	s7 =	sand.u32 $0x70, s6;
	s3 =	sand.u32 $0x1C00, s6;
	_ =	swait.ge [sflag:s26], $0x2800  }
0x233: {  	s3 =	sor.u32 s7, s3;
	[sflag:s26] =	ssyncset.done $0x0  }
0x234: {  	s8 =	sadd.s32 $0x11500, s3;
	[sflag:s26] =	ssyncadd.s32 $0xFFFFD800  }
0x235: {  	v4 =	vld [tilespmem:s8+$0x80]  }
0x236: {  	v5 =	vld [tilespmem:s3+$0x11500];
	_ =	sdelay $0x1  }
0x237: {  	v6 =	vld [tilespmem:s8+$0x100];
	_ =	sdelay $0x1  }
0x238: {  	v7 =	vld [tilespmem:s8+$0x180]  }
0x239: {  	v4 =	vadd.f32 v4, v5  }
0x23a: {  	v5 =	vld [tilespmem:s8+$0x200]  }
0x23b: {  	v4 =	vadd.f32 v6, v4  }
0x23c: {  	v6 =	vld [tilespmem:s8+$0x280]  }
0x23d: {  	v4 =	vadd.f32 v7, v4  }
0x23e: {  	s6 =	sor.u32 s6, s6;
	v7 =	vld [tilespmem:s8+$0x300]  }
0x23f: {  	s6 =	sor.u32 $0x380, s6;
	v4 =	vadd.f32 v5, v4  }
0x240: {  	v5 =	vld [tilespmem:s6+$0x11500]  }
0x241: {  	v4 =	vadd.f32 v6, v4  }
0x242: {  	v6 =	vld [tilespmem:s3+$0x12900]  }
0x243: {  	v4 =	vadd.f32 v7, v4  }
0x244: {  	v7 =	vld [tilespmem:s3+$0x12980]  }
0x245: {  	v4 =	vadd.f32 v5, v4  }
0x246: {  	v5 =	vld [tilespmem:s3+$0x12A00]  }
0x247: {  	v4 =	vadd.f32 v6, v4  }
0x248: {  	v6 =	vld [tilespmem:s3+$0x12A80]  }
0x249: {  	v4 =	vadd.f32 v7, v4  }
0x24a: {  	v7 =	vld [tilespmem:s3+$0x12B00]  }
0x24b: {  	v4 =	vadd.f32 v5, v4  }
0x24c: {  	v5 =	vld [tilespmem:s3+$0x12B80]  }
0x24d: {  	v4 =	vadd.f32 v6, v4  }
0x24e: {  	v6 =	vld [tilespmem:s3+$0x12C00]  }
0x24f: {  	s13 =	sadd.s32 $0x0, s5;
	v4 =	vadd.f32 v7, v4  }
0x250: {  	s6 =	sand.u32 $0x7F80, s13;
	v7 =	vld [tilespmem:s3+$0x12C80]  }
0x251: {  	s6 =	sor.u32 s7, s6;
	v4 =	vadd.f32 v5, v4  }
0x252: {  	v5 =	vld [tilespmem:s6+$0xC500]  }
0x253: {  	v4 =	vadd.f32 v6, v4  }
0x254: {  	v6 =	vld [tilespmem:s6+$0xED00]  }
0x255: {  	s22 =	simm.s32 $0x13D00;
	v7 =	vadd.f32 v7, v4  }
0x256: {  	v4 =	vld.idx.msk [tilespmem:v0+s22+$0x0], $0xffff  }
0x257: {  	v5 =	vadd.f32 v5, v7;
	_ =	sdelay $0x1  }
0x258: {  	s6 =	simm.s32 $0x10;
	s22 =	simm.s32 $0x80;
	v5 =	vmul.f32 v5, v6  }
0x259: {  	s7 =	sand.u32 $0x70, s6;
	s23 =	sand.u32 $0x1C00, s22  }
0x25a: {  	s8 =	simm.s32 $0x20;
	s13 =	sor.u32 s7, s23;
	v5 =	vadd.f32 v5, v4  }
.LBB2_20:
0x25b: {  	p0 =	sne.s32 s8, $0x270;
	s23 =	sadd.s32 $0x11500, s13  }
0x25c: {  	v6 =	vld [tilespmem:s23+$0x80];
	[tilespmem:s3+$0x11500] =	vst v5;
	s3 =	smov.u32 s13  }
0x25d: {  	v5 =	vld [tilespmem:s3+$0x11500];
	_ =	sdelay $0x1  }
0x25e: {  	v7 =	vld [tilespmem:s23+$0x100];
	_ =	sdelay $0x1  }
0x25f: {  	v8 =	vld [tilespmem:s23+$0x180]  }
0x260: {  	v5 =	vadd.f32 v6, v5  }
0x261: {  	v6 =	vld [tilespmem:s23+$0x200]  }
0x262: {  	v5 =	vadd.f32 v7, v5  }
0x263: {  	v7 =	vld [tilespmem:s23+$0x280]  }
0x264: {  	v5 =	vadd.f32 v8, v5  }
0x265: {  	s13 =	sor.u32 s22, s6;
	v8 =	vld [tilespmem:s23+$0x300]  }
0x266: {  	s13 =	sor.u32 $0x380, s13;
	v5 =	vadd.f32 v6, v5  }
0x267: {  	v6 =	vld [tilespmem:s13+$0x11500]  }
0x268: {  	v5 =	vadd.f32 v7, v5  }
0x269: {  	v7 =	vld [tilespmem:s3+$0x12900]  }
0x26a: {  	v5 =	vadd.f32 v8, v5  }
0x26b: {  	v8 =	vld [tilespmem:s3+$0x12980]  }
0x26c: {  	v5 =	vadd.f32 v6, v5  }
0x26d: {  	v6 =	vld [tilespmem:s3+$0x12A00]  }
0x26e: {  	v5 =	vadd.f32 v7, v5  }
0x26f: {  	v7 =	vld [tilespmem:s3+$0x12A80]  }
0x270: {  	v5 =	vadd.f32 v8, v5  }
0x271: {  	v8 =	vld [tilespmem:s3+$0x12B00]  }
0x272: {  	v5 =	vadd.f32 v6, v5  }
0x273: {  	v6 =	vld [tilespmem:s3+$0x12B80]  }
0x274: {  	v5 =	vadd.f32 v7, v5  }
0x275: {  	v7 =	vld [tilespmem:s3+$0x12C00]  }
0x276: {  	s13 =	sadd.s32 s6, s5;
	s6 =	smov.u32 s8;
	v5 =	vadd.f32 v8, v5  }
0x277: {  	s13 =	sand.u32 $0x7F80, s13;
	v8 =	vld [tilespmem:s3+$0x12C80]  }
0x278: {  	s7 =	sor.u32 s7, s13;
	v5 =	vadd.f32 v6, v5  }
0x279: {  	v6 =	vld [tilespmem:s7+$0xC500]  }
0x27a: {  	v5 =	vadd.f32 v7, v5  }
0x27b: {  	v7 =	vld [tilespmem:s7+$0xED00]  }
0x27c: {  	v5 =	vadd.f32 v8, v5;
	_ =	sdelay $0x1  }
.Ltmp9:
0x27d: {  	v5 =	vadd.f32 v6, v5;
	(pc) =	sbr.rel @p0 .LBB2_20-.Ltmp9, $4  }
0x27e: {  	_ = 	snop  }
0x27f: {  	s22 =	sadd.s32 $0x80, s22;
	v5 =	vmul.f32 v5, v7  }
0x280: {  	s13 =	sand.u32 $0x1C00, s22;
	s7 =	sand.u32 $0x70, s8  }
0x281: {  	s8 =	sadd.s32 $0x10, s8;
	s13 =	sor.u32 s7, s13;
	v5 =	vadd.f32 v5, v4  }
0x282: {  	s8 =	sadd.s32 $0x11500, s13  }
0x283: {  	v6 =	vld [tilespmem:s8+$0x80];
	[tilespmem:s3+$0x11500] =	vst v5  }
0x284: {  	v5 =	vld [tilespmem:s13+$0x11500];
	_ =	sdelay $0x1  }
0x285: {  	v7 =	vld [tilespmem:s8+$0x100];
	_ =	sdelay $0x1  }
0x286: {  	v8 =	vld [tilespmem:s8+$0x180]  }
0x287: {  	v5 =	vadd.f32 v6, v5  }
0x288: {  	v50 =	vld [tilespmem:s8+$0x200]  }
0x289: {  	v5 =	vadd.f32 v7, v5  }
0x28a: {  	v51 =	vld [tilespmem:s8+$0x280]  }
0x28b: {  	v5 =	vadd.f32 v8, v5  }
0x28c: {  	s23 =	sor.u32 s22, s6;
	v52 =	vld [tilespmem:s8+$0x300]  }
0x28d: {  	s3 =	sor.u32 $0x380, s23;
	v5 =	vadd.f32 v50, v5  }
0x28e: {  	v53 =	vld [tilespmem:s3+$0x11500]  }
0x28f: {  	v5 =	vadd.f32 v51, v5  }
0x290: {  	v54 =	vld [tilespmem:s13+$0x12900]  }
0x291: {  	v5 =	vadd.f32 v52, v5  }
0x292: {  	v55 =	vld [tilespmem:s13+$0x12980]  }
0x293: {  	v5 =	vadd.f32 v53, v5  }
0x294: {  	v56 =	vld [tilespmem:s13+$0x12A00]  }
0x295: {  	v5 =	vadd.f32 v54, v5  }
0x296: {  	v57 =	vld [tilespmem:s13+$0x12A80]  }
0x297: {  	v5 =	vadd.f32 v55, v5  }
0x298: {  	v58 =	vld [tilespmem:s13+$0x12B00]  }
0x299: {  	v5 =	vadd.f32 v56, v5  }
0x29a: {  	v59 =	vld [tilespmem:s13+$0x12B80]  }
0x29b: {  	v5 =	vadd.f32 v57, v5  }
0x29c: {  	v60 =	vld [tilespmem:s13+$0x12C00]  }
0x29d: {  	s6 =	sadd.s32 s6, s5;
	v5 =	vadd.f32 v58, v5  }
0x29e: {  	s3 =	sand.u32 $0x7F80, s6;
	v61 =	vld [tilespmem:s13+$0x12C80]  }
0x29f: {  	s3 =	sor.u32 s7, s3;
	v5 =	vadd.f32 v59, v5  }
0x2a0: {  	v62 =	vld [tilespmem:s3+$0xC500]  }
0x2a1: {  	v5 =	vadd.f32 v60, v5  }
0x2a2: {  	v63 =	vld [tilespmem:s3+$0xED00]  }
0x2a3: {  	v5 =	vadd.f32 v61, v5;
	_ =	sdelay $0x1  }
0x2a4: {  	v5 =	vadd.f32 v62, v5;
	_ =	sdelay $0x1  }
0x2a5: {  	v5 =	vmul.f32 v5, v63;
	_ =	sdelay $0x1  }
0x2a6: {  	v4 =	vadd.f32 v5, v4;
	_ =	sdelay $0x1  }
0x2a7: {  	[tilespmem:s13+$0x11500] =	vst v4  }
0x2a8: {  	[hbm4b:s12+s4] =	stream.linear.scatter [tilespmem:s30], [sflag:$0x3], $0x80, $0x38;
	[tilespmem:$0x16800] =	vst v63  }
0x2a9: {  	s7 =	sadd.s32 $0x20, s12  }
0x2aa: {  	[hbm4b:s7+s4] =	stream.linear.scatter [tilespmem:s31], [sflag:$0x3], $0x80, $0x38;
	[tilespmem:$0x16800] =	vst v63  }
0x2ab: {  	s8 =	sadd.s32 $0x40, s12  }
0x2ac: {  	[hbm4b:s8+s4] =	stream.linear.scatter [tilespmem:s0], [sflag:$0x3], $0x80, $0x38;
	[tilespmem:$0x16800] =	vst v63  }
0x2ad: {  	s13 =	sadd.s32 $0x60, s12  }
0x2ae: {  	[hbm4b:s13+s4] =	stream.linear.scatter [tilespmem:s2], [sflag:$0x3], $0x80, $0x38;
	[tilespmem:$0x16800] =	vst v63  }
0x2af: {  	s22 =	sadd.s32 $0x80, s12  }
0x2b0: {  	[hbm4b:s22+s4] =	stream.linear.scatter [tilespmem:s1], [sflag:$0x3], $0x80, $0x38;
	[tilespmem:$0x16800] =	vst v63  }
0x2b1: {  	_ =	swait.ge [sflag:s26], $0x280  }
0x2b2: {  	s18 =	sadd.s32 $0x1, s18;
	s23 =	rddreg [dreg:$0x8]  }
0x2b3: {  	p0 =	sne.s32 s18, s23  }
.Ltmp10:
0x2b4: {  	_ = 	snop;
	(pc) =	sbr.rel @p0 .LBB2_1-.Ltmp10, $3  }
0x2b5: {  	_ =	sdelay $0x1  }
0x2b6: {  	[sflag:s26] =	ssyncset.done $0x0  }
0x2b7: {  	[sflag:s26] =	ssyncadd.s32 $0xFFFFFD80  }
0x2b8: {  	_ =	sfence.sel $0x180000  }
0x2b9: {  	[bflag:$0x0] =	sbarrier.arrive $0xFFFF  }
0x2ba: {  	_ =	strace $0x90000047  }
0x2bb: {  	s0 =	stileid.u32;
	[bflag:$0x2] =	sbarrier.arrive $0xFFFF  }
0x2bc: {  	p0 =	sne.s32 s0, $0x0;
	s0 =	rddreg [dreg:$0x4]  }
0x2bd: {  	s0 =	sadd.s32 @!p0 $0x100000, s0  }
0x2be: {  	[sflag:s0] =	ssyncadd.tile.s32 @!p0 $0x1;
	_ =	shalt  }
.Lfunc_end2:
_tile_overlayer_lowered:
.L_overlay_start_2:
0x2bf: {  	(tag) =	ssettag $0x2  }
0x2c0: {  	s0 =	rddreg [dreg:$0x0];
	s2 =	stileid.u32  }
0x2c1: {  	s1 =	rddreg [dreg:$0x1];
	p0 =	sne.s32 s2, $0x0  }
0x2c2: {  	s3 =	rddreg [dreg:$0x2];
	[bflag:$0x3] =	sbarrier.arrive $0xFFFF;
	s2 =	simm.s32 @!p0 $0x1C03  }
0x2c3: {  	[timem:s3], [sflag:s2] =	dma.local @!p0 [hbm:s0], s1  }
0x2c4: {  	s0 =	simm.s32 @!p0 $0x3  }
0x2c5: {  	_ =	swait.ge @!p0 [sflag:s0], s1  }
0x2c6: {  	s1 =	ssub.s32 @!p0 $0x0, s1;
	[sflag:s0] =	ssyncset.done @!p0 $0x0  }
0x2c7: {  	[sflag:s0] =	ssyncadd.s32 @!p0 s1  }
0x2c8: {  	[bflag:$0x3] =	sbarrier.arrive $0xFFFF  }
0x2c9: {  	_ =	shalt  }

</sc_bundles>
